<compile_context>
chip_gen: v7x
topology: tpu7x:2x2x1
jax: 0.10.2.dev20260603
libtpu: 0.0.44.dev20260713+nightly
codegen_flags: <defaults>
</compile_context>

<pallas_src>
import jax
import jax.numpy as jnp
from jax import lax
from jax.experimental import pallas as pl
from jax.experimental.pallas import tpu as pltpu
from jax.experimental.pallas import tpu_sc as plsc

_D = 64
_K = 8192
_TILE = 128


def _enc_conv(x, w, b):
    out = lax.conv_general_dilated(x, w, (1, 1), ((1, 1), (1, 1)),
                                   dimension_numbers=('NCHW', 'OIHW', 'NCHW'))
    return out + b[None, :, None, None]


def _pool2(x):
    return lax.reduce_window(x, -jnp.inf, lax.max, (1, 1, 2, 2), (1, 1, 2, 2), 'VALID')



def _vq_tc_body(f_ref, ct_ref, idx_ref, sse_ref, cn_ref):
    i = pl.program_id(0)

    @pl.when(i == 0)
    def _():
        ct0 = ct_ref[...]
        cn_ref[...] = jnp.sum(ct0 * ct0, axis=0, keepdims=True)
        sse_ref[...] = jnp.zeros_like(sse_ref)

    f = f_ref[...]
    mm = lax.dot_general(f, ct_ref[...], (((1,), (0,)), ((), ())),
                         preferred_element_type=jnp.float32)
    fn = jnp.sum(f * f, axis=1, keepdims=True)
    dist = (fn + cn_ref[...]) - 2.0 * mm
    dmin = jnp.min(dist, axis=1, keepdims=True)
    iota = lax.broadcasted_iota(jnp.int32, dist.shape, 1)
    idx = jnp.min(jnp.where(dist == dmin, iota, jnp.int32(_K)), axis=1)
    idx_ref[...] = idx.reshape(1, 1, _TILE)
    sse_ref[...] += jnp.sum(dmin).reshape(1, 1)


def _vq_argmin(flat, codebook):
    n = flat.shape[0]
    ntiles = n // _TILE
    ct = codebook.T
    idx3, sse = pl.pallas_call(
        _vq_tc_body,
        grid=(ntiles,),
        in_specs=[
            pl.BlockSpec((_TILE, _D), lambda i: (i, 0)),
            pl.BlockSpec((_D, _K), lambda i: (0, 0)),
        ],
        out_specs=[
            pl.BlockSpec((1, 1, _TILE), lambda i: (i, 0, 0)),
            pl.BlockSpec((1, 1), lambda i: (0, 0)),
        ],
        out_shape=[
            jax.ShapeDtypeStruct((ntiles, 1, _TILE), jnp.int32),
            jax.ShapeDtypeStruct((1, 1), jnp.float32),
        ],
        scratch_shapes=[pltpu.VMEM((1, _K), jnp.float32)],
    )(flat, ct)
    return idx3.reshape(n), sse[0, 0]



def _sc_gather(codebook, idx):
    n = idx.shape[0]
    window = 128
    padded = jnp.pad(codebook, ((0, 0), (0, 128 - _D)))
    idx2 = idx.reshape(1, n)
    mesh = plsc.VectorSubcoreMesh(core_axis_name="core", subcore_axis_name="subcore")

    @pl.kernel(out_type=jax.ShapeDtypeStruct((n, 128), codebook.dtype), mesh=mesh)
    def kern(x_hbm, i_hbm, o_hbm):
        def body(i_vmem, o_vmem):
            pltpu.sync_copy(x_hbm.at[i_vmem.at[0]], o_vmem)

        pltpu.emit_pipeline(
            body,
            grid=(n // window,),
            in_specs=[pl.BlockSpec((1, window), index_map=lambda i: (0, i))],
            out_specs=[pl.BlockSpec((window, 128), index_map=lambda i: (i, 0))],
            core_axis_name=("core", "subcore"),
            dimension_semantics=(pltpu.PARALLEL,),
        )(i_hbm, o_hbm)

    return kern(padded, idx2)



def _dec_body(st_ref, w1_ref, b1_ref, w2_ref, b2_ref, w3_ref, b3_ref,
              out_ref, p1_ref, p2_ref, p3_ref):
    p1_ref[...] = jnp.zeros_like(p1_ref)
    p1_ref[1:29, 1:29, :] = st_ref[0]

    def convt_phases(p_ref, hw, w_ref, bias, cout):
        out = []
        for a in (0, 1):
            row = []
            for b in (0, 1):
                acc = jnp.zeros((hw * hw, cout), jnp.float32)
                for dy in (0, 1):
                    for dx in (0, 1):
                        sl = p_ref[dy + a:dy + a + hw, dx + b:dx + b + hw, :]
                        A = sl.reshape(hw * hw, sl.shape[-1])
                        p = ((a * 2 + b) * 2 + dy) * 2 + dx
                        acc = acc + jnp.dot(A, w_ref[p],
                                            preferred_element_type=jnp.float32)
                row.append(jnp.maximum(acc + bias[None, :], 0.0))
            out.append(row)
        return out

    def interleave(ph, hw, c):
        rows = []
        for a in (0, 1):
            r = jnp.stack([ph[a][0].reshape(hw, hw, c),
                           ph[a][1].reshape(hw, hw, c)], axis=2)
            rows.append(r.reshape(hw, 2 * hw, c))
        return jnp.stack(rows, axis=1).reshape(2 * hw, 2 * hw, c)

    ph1 = convt_phases(p1_ref, 28, w1_ref, b1_ref[...], _D)
    p2_ref[...] = jnp.zeros_like(p2_ref)
    p2_ref[1:57, 1:57, :] = interleave(ph1, 28, _D)

    ph2 = convt_phases(p2_ref, 56, w2_ref, b2_ref[...], 32)
    full2 = interleave(ph2, 56, 32)
    p3_ref[...] = jnp.zeros_like(p3_ref)
    p3_ref[:, 1:113, 1:113] = full2.reshape(12544, 32).T.reshape(32, 112, 112)

    out_ref[0] = jnp.zeros((3, 224, 224), jnp.float32) + p3_ref[0, 0, 0]
    return
    planes = []
    for co in (0, 1, 2):
        rows = []
        for a in (0, 1):
            cols = []
            for b in (0, 1):
                acc = jnp.zeros((112, 112), jnp.float32)
                for dy in (0, 1):
                    for dx in (0, 1):
                        sl = p3_ref[:, dy + a:dy + a + 112, dx + b:dx + b + 112]
                        wvec = w3_ref[a, b, co, dy, dx, :]
                        acc = acc + jnp.sum(sl * wvec[:, None, None], axis=0)
                cols.append(acc)
            r = jnp.stack(cols, axis=2).reshape(112, 224)
            rows.append(r)
        plane = jnp.stack(rows, axis=1).reshape(224, 224)
        planes.append(jnp.tanh(plane + b3_ref[co]))
    out_ref[0] = jnp.stack(planes, axis=0)


def _decoder(st_cl, dec_w1, dec_b1, dec_w2, dec_b2, dec_w3, dec_b3):

    def phase_tap_weights(w):
        w2 = jnp.transpose(jnp.flip(w, (2, 3)), (1, 0, 2, 3))
        mats = []
        for a in (0, 1):
            for b in (0, 1):
                for dy in (0, 1):
                    for dx in (0, 1):
                        mats.append(w2[:, :, 2 * dy + a, 2 * dx + b].T)
        return jnp.stack(mats)

    w1 = phase_tap_weights(dec_w1)
    w2 = phase_tap_weights(dec_w2)
    w2_3 = jnp.transpose(jnp.flip(dec_w3, (2, 3)), (1, 0, 2, 3))
    w3 = jnp.stack([jnp.stack([jnp.stack([jnp.stack([jnp.stack([
        w2_3[co, :, 2 * dy + a, 2 * dx + b]
        for dx in (0, 1)], 0) for dy in (0, 1)], 0) for co in (0, 1, 2)], 0)
        for b in (0, 1)], 0) for a in (0, 1)], 0)

    return pl.pallas_call(
        _dec_body,
        grid=(8,),
        in_specs=[
            pl.BlockSpec((1, 28, 28, _D), lambda n: (n, 0, 0, 0)),
            pl.BlockSpec((16, _D, _D), lambda n: (0, 0, 0)),
            pl.BlockSpec((_D,), lambda n: (0,)),
            pl.BlockSpec((16, _D, 32), lambda n: (0, 0, 0)),
            pl.BlockSpec((32,), lambda n: (0,)),
            pl.BlockSpec((2, 2, 3, 2, 2, 32), lambda n: (0, 0, 0, 0, 0, 0)),
            pl.BlockSpec((3,), lambda n: (0,)),
        ],
        out_specs=pl.BlockSpec((1, 3, 224, 224), lambda n: (n, 0, 0, 0)),
        out_shape=jax.ShapeDtypeStruct((8, 3, 224, 224), jnp.float32),
        scratch_shapes=[
            pltpu.VMEM((30, 30, _D), jnp.float32),
            pltpu.VMEM((58, 58, _D), jnp.float32),
            pltpu.VMEM((32, 114, 114), jnp.float32),
        ],
    )(st_cl, w1, dec_b1, w2, dec_b2, w3, dec_b3)


def kernel(x, enc_w1, enc_b1, enc_w2, enc_b2, enc_w3, enc_b3, codebook,
           dec_w1, dec_b1, dec_w2, dec_b2, dec_w3, dec_b3):
    h = jax.nn.relu(_enc_conv(x, enc_w1, enc_b1))
    h = _pool2(h)
    h = jax.nn.relu(_enc_conv(h, enc_w2, enc_b2))
    h = _pool2(h)
    h = _enc_conv(h, enc_w3, enc_b3)
    z = _pool2(h)

    flat = z.reshape(-1, codebook.shape[1])
    idx, sse = _vq_argmin(flat, codebook)
    qrows = _sc_gather(codebook, idx)

    vq_loss = 1.25 * (sse / flat.size)
    q = qrows[:, :_D].reshape(z.shape)
    st = z + lax.stop_gradient(q - z)
    st_cl = st.transpose(0, 2, 3, 1)
    x_recon = _decoder(st_cl, dec_w1, dec_b1, dec_w2, dec_b2,
                       dec_w3, dec_b3)
    return (x_recon, vq_loss)

# --- scband reference (transcript-rebuilt; emitter-appended) ---
"""Pipeline reference for scband-vqvae-42271068127826 (READ-ONLY COPY).

The authoritative reference and input builder live on the scoring server;
editing this copy changes nothing except your own understanding.
"""

import jax, jax.numpy as jnp
from jax import lax
import numpy as np


def _conv2d(x, w, b):
    out = lax.conv_general_dilated(x, w, (1, 1), ((1, 1), (1, 1)), dimension_numbers=('NCHW', 'OIHW', 'NCHW'))
    return out + b[None, :, None, None]


def _maxpool2(x):
    return lax.reduce_window(x, -jnp.inf, lax.max, (1, 1, 2, 2), (1, 1, 2, 2), 'VALID')


def _convT(x, w, b):
    # torch ConvTranspose2d(k=4, stride=2, pad=1) == dilated conv with flipped, transposed kernel
    w2 = jnp.transpose(jnp.flip(w, (2, 3)), (1, 0, 2, 3))
    out = lax.conv_general_dilated(x, w2, (1, 1), ((2, 2), (2, 2)), lhs_dilation=(2, 2), dimension_numbers=('NCHW', 'OIHW', 'NCHW'))
    return out + b[None, :, None, None]


def _forward(x, enc_w1, enc_b1, enc_w2, enc_b2, enc_w3, enc_b3, codebook, dec_w1, dec_b1, dec_w2, dec_b2, dec_w3, dec_b3):
    h = jax.nn.relu(_conv2d(x, enc_w1, enc_b1))
    h = _maxpool2(h)
    h = jax.nn.relu(_conv2d(h, enc_w2, enc_b2))
    h = _maxpool2(h)
    h = _conv2d(h, enc_w3, enc_b3)
    z = _maxpool2(h)
    # VectorQuantizer (faithful to torch view(-1, embedding_dim) on NCHW tensor)
    flat = z.reshape(-1, codebook.shape[1])
    dist = jnp.sum(flat ** 2, axis=1, keepdims=True) + jnp.sum(codebook ** 2, axis=1) - 2.0 * (flat @ codebook.T)
    idx = jnp.argmin(dist, axis=1)
    q = jnp.take(codebook, idx, axis=0).reshape(z.shape)
    codebook_loss = jnp.mean((lax.stop_gradient(q) - z) ** 2)
    commitment_loss = jnp.mean((lax.stop_gradient(z) - q) ** 2)
    vq_loss = codebook_loss + 0.25 * commitment_loss
    q = z + lax.stop_gradient(q - z)
    d = jax.nn.relu(_convT(q, dec_w1, dec_b1))
    d = jax.nn.relu(_convT(d, dec_w2, dec_b2))
    x_recon = jnp.tanh(_convT(d, dec_w3, dec_b3))
    return (x_recon, vq_loss)


def setup_inputs(seed: int = 0):
    key = jax.random.key(seed)
    ks = jax.random.split(key, 16)
    d = {}
    d['x'] = jax.random.normal(ks[0], (8, 3, 224, 224), dtype=jnp.float32)
    d['enc_w1'] = jax.random.normal(ks[1], (32, 3, 3, 3), dtype=jnp.float32) * 0.1
    d['enc_b1'] = jnp.zeros((32,), jnp.float32)
    d['enc_w2'] = jax.random.normal(ks[2], (64, 32, 3, 3), dtype=jnp.float32) * 0.05
    d['enc_b2'] = jnp.zeros((64,), jnp.float32)
    d['enc_w3'] = jax.random.normal(ks[3], (64, 64, 3, 3), dtype=jnp.float32) * 0.05
    d['enc_b3'] = jnp.zeros((64,), jnp.float32)
    d['codebook'] = jax.random.uniform(ks[4], (8192, 64), jnp.float32, -1.0 / 8192, 1.0 / 8192)
    d['dec_w1'] = jax.random.normal(ks[5], (64, 64, 4, 4), dtype=jnp.float32) * 0.05
    d['dec_b1'] = jnp.zeros((64,), jnp.float32)
    d['dec_w2'] = jax.random.normal(ks[6], (64, 32, 4, 4), dtype=jnp.float32) * 0.05
    d['dec_b2'] = jnp.zeros((32,), jnp.float32)
    d['dec_w3'] = jax.random.normal(ks[7], (32, 3, 4, 4), dtype=jnp.float32) * 0.05
    d['dec_b3'] = jnp.zeros((3,), jnp.float32)
    return d


def reference(x, enc_w1, enc_b1, enc_w2, enc_b2, enc_w3, enc_b3, codebook, dec_w1, dec_b1, dec_w2, dec_b2, dec_w3, dec_b3):
    return _forward(x, enc_w1, enc_b1, enc_w2, enc_b2, enc_w3, enc_b3, codebook, dec_w1, dec_b1, dec_w2, dec_b2, dec_w3, dec_b3)

if __name__ == "__main__":
    import jax
    _d = setup_inputs()
    print(jax.jit(kernel)(*tuple(_d.values())))

</pallas_src>

<mosaic_0001>
#map = affine_map<(d0, d1) -> (0, 0)>
module attributes {stable_mosaic.version = 14 : i64} {
  func.func @kern(%arg0: i32, %arg1: i32, %arg2: memref<8192x128xf32, #tpu.memory_space<hbm>>, %arg3: memref<1x6272xi32, #tpu.memory_space<hbm>>, %arg4: memref<6272x128xf32, #tpu.memory_space<hbm>>) attributes {dimension_semantics = [#tpu.dimension_semantics<core_parallel>, #tpu.dimension_semantics<subcore_parallel>], iteration_bounds = array<i64: 2, 16>, scalar_prefetch = 0 : i64, scratch_operands = 0 : i64, tpu.core_type = #tpu.core_type<sc_vector_subcore>, window_params = [{transform_indices = #map}, {transform_indices = #map}, {transform_indices = #map}]} {
    %mul3A = arith.constant 1 : i32
    %mul3A_0 = arith.muli %arg1, %mul3A : i32
    %add3A = arith.constant 0 : i32
    %add3A_1 = arith.addi %add3A, %mul3A_0 : i32
    %mul3A_2 = arith.constant 16 : i32
    %mul3A_3 = arith.muli %arg0, %mul3A_2 : i32
    %add3A_4 = arith.addi %add3A_1, %mul3A_3 : i32
    %lt3A = arith.constant 17 : i32
    %lt3A_5 = arith.cmpi slt, %add3A_4, %lt3A : i32
    %jit3A = arith.constant 2 : i32
    %jit3A_6 = arith.constant 1 : i32
    %select_n3A = arith.select %lt3A_5, %jit3A, %jit3A_6 : i32
    %lt3A_7 = arith.constant 17 : i32
    %lt3A_8 = arith.cmpi slt, %add3A_4, %lt3A_7 : i32
    %mul3A_9 = arith.muli %add3A_4, %select_n3A : i32
    %mul3A_10 = arith.constant 1 : i32
    %mul3A_11 = arith.muli %add3A_4, %mul3A_10 : i32
    %add3A_12 = arith.constant 17 : i32
    %add3A_13 = arith.addi %mul3A_11, %add3A_12 : i32
    %select_n3A_14 = arith.select %lt3A_8, %mul3A_9, %add3A_13 : i32
    %mul3A_15 = arith.constant 1 : i32
    %mul3A_16 = arith.muli %mul3A_15, %select_n3A : i32
    "tpu.region"() ({
      %run_scoped3A = memref.alloca() : memref<2x1x128xi32, #tpu.memory_space<vmem>>
      %run_scoped3A_17 = tpu.sem_alloc : memref<2x!tpu.dma_semaphore, #tpu.memory_space<semaphore_mem>>
      %run_scoped3A_18 = memref.alloca() : memref<2x128x128xf32, #tpu.memory_space<vmem>>
      %run_scoped3A_19 = tpu.sem_alloc : memref<2x!tpu.dma_semaphore, #tpu.memory_space<semaphore_mem>>
      %gt3A = arith.constant 0 : i32
      %gt3A_20 = arith.cmpi sgt, %mul3A_16, %gt3A : i32
      %convert_element_type3A = arith.extui %gt3A_20 : i1 to i32
      %cond3A = arith.constant 0 : i32
      %cond3A_21 = arith.cmpi ne, %convert_element_type3A, %cond3A : i32
      scf.if %cond3A_21 {
        %mul3A_22 = arith.constant 1 : i32
        %mul3A_23 = arith.muli %mul3A_22, %select_n3A : i32
        %sub3A = arith.constant 1 : i32
        %sub3A_24 = arith.subi %mul3A_23, %sub3A : i32
        %eq3A = arith.constant 0 : i32
        %eq3A_25 = arith.cmpi eq, %sub3A_24, %eq3A : i32
        %add3A_26 = arith.constant 0 : i32
        %add3A_27 = arith.addi %add3A_26, %select_n3A_14 : i32
        %select_n3A_28 = arith.constant true
        %select_n3A_29 = arith.constant 0 : i32
        %select_n3A_30 = arith.constant -1 : i32
        %select_n3A_31 = arith.select %select_n3A_28, %select_n3A_30, %select_n3A_29 : i32
        %eq3A_32 = arith.constant -1 : i32
        %eq3A_33 = arith.cmpi eq, %select_n3A_31, %eq3A_32 : i32
        %sub3A_34 = arith.constant 1 : i32
        %sub3A_35 = arith.subi %select_n3A, %sub3A_34 : i32
        %select_n3A_36 = arith.select %eq3A_33, %sub3A_35, %select_n3A_31 : i32
        %add3A_37 = arith.addi %select_n3A_36, %select_n3A_14 : i32
        %select_n3A_38 = arith.constant true
        %select_n3A_39 = arith.constant 0 : i32
        %select_n3A_40 = arith.constant 1 : i32
        %select_n3A_41 = arith.select %select_n3A_38, %select_n3A_40, %select_n3A_39 : i32
        %eq3A_42 = arith.cmpi eq, %select_n3A_41, %select_n3A : i32
        %select_n3A_43 = arith.constant 0 : i32
        %select_n3A_44 = arith.select %eq3A_42, %select_n3A_43, %select_n3A_41 : i32
        %add3A_45 = arith.addi %select_n3A_44, %select_n3A_14 : i32
        %add3A_46 = arith.constant 1 : i32
        %add3A_47 = arith.addi %select_n3A_44, %add3A_46 : i32
        %select_n3A_48 = arith.constant true
        %select_n3A_49 = arith.select %select_n3A_48, %add3A_47, %select_n3A_44 : i32
        %eq3A_50 = arith.cmpi eq, %select_n3A_49, %select_n3A : i32
        %select_n3A_51 = arith.constant 0 : i32
        %select_n3A_52 = arith.select %eq3A_50, %select_n3A_51, %select_n3A_49 : i32
        %add3A_53 = arith.addi %select_n3A_52, %select_n3A_14 : i32
        "tpu.trace_start"() <{level = 10 : i32, message = "ep_initialize_0"}> : () -> ()
        %rem3A = arith.constant 0 : i32
        %rem3A_54 = arith.constant 2 : i32
        %rem3A_55 = arith.remui %rem3A, %rem3A_54 : i32
        %mul3A_56 = arith.constant 128 : i32
        %mul3A_57 = arith.muli %mul3A_56, %add3A_27 : i32
        %dma_start3A = arith.constant 0 : i32
        %dma_start3A_58 = arith.constant 0 : i32
        %dma_start3A_59 = tpu.memref_slice %run_scoped3A[%rem3A_55, %dma_start3A, %dma_start3A_58] : memref<2x1x128xi32, #tpu.memory_space<vmem>> -> memref<1x1x128xi32, #tpu.memory_space<vmem>>
        %dma_start3A_60 = tpu.memref_squeeze %dma_start3A_59 : memref<1x1x128xi32, #tpu.memory_space<vmem>> -> memref<1x128xi32, #tpu.memory_space<vmem>>
        %dma_start3A_61 = arith.constant 0 : i32
        %dma_start3A_62 = tpu.memref_slice %arg3[%dma_start3A_61, %mul3A_57] : memref<1x6272xi32, #tpu.memory_space<hbm>> -> memref<1x128xi32, #tpu.memory_space<hbm>>
        %dma_start3A_63 = tpu.memref_slice %run_scoped3A_17[%rem3A_55] : memref<2x!tpu.dma_semaphore, #tpu.memory_space<semaphore_mem>> -> memref<1x!tpu.dma_semaphore, #tpu.memory_space<semaphore_mem>>
        %dma_start3A_64 = tpu.memref_squeeze %dma_start3A_63 : memref<1x!tpu.dma_semaphore, #tpu.memory_space<semaphore_mem>> -> memref<!tpu.dma_semaphore, #tpu.memory_space<semaphore_mem>>
        %dma_start3A_65 = arith.constant 0 : i32
        %dma_start3A_66 = arith.constant 0 : i32
        %dma_start3A_67 = tpu.memref_slice %run_scoped3A[%rem3A_55, %dma_start3A_65, %dma_start3A_66] : memref<2x1x128xi32, #tpu.memory_space<vmem>> -> memref<1x1x128xi32, #tpu.memory_space<vmem>>
        %dma_start3A_68 = tpu.memref_squeeze %dma_start3A_67 : memref<1x1x128xi32, #tpu.memory_space<vmem>> -> memref<1x128xi32, #tpu.memory_space<vmem>>
        %dma_start3A_69 = arith.constant 0 : i32
        %dma_start3A_70 = tpu.memref_slice %arg3[%dma_start3A_69, %mul3A_57] : memref<1x6272xi32, #tpu.memory_space<hbm>> -> memref<1x128xi32, #tpu.memory_space<hbm>>
        tpu.enqueue_dma source(%dma_start3A_70 : memref<1x128xi32, #tpu.memory_space<hbm>>) target(%dma_start3A_68 : memref<1x128xi32, #tpu.memory_space<vmem>>) target_semaphore(%dma_start3A_64 : memref<!tpu.dma_semaphore, #tpu.memory_space<semaphore_mem>>)
        %add3A_71 = arith.constant 0 : i32
        %add3A_72 = arith.constant 1 : i32
        %add3A_73 = arith.addi %add3A_71, %add3A_72 : i32
        %select_n3A_74 = arith.constant true
        %select_n3A_75 = arith.constant 0 : i32
        %select_n3A_76 = arith.select %select_n3A_74, %add3A_73, %select_n3A_75 : i32
        %while3A = arith.constant 0 : i32
        %while3A_77 = arith.constant 0 : i32
        %while3A_78 = arith.constant 0 : i32
        %while3A_79 = arith.constant 0 : i32
        %while3A_80 = arith.constant 0 : i32
        "tpu.trace_stop"() : () -> ()
        %while3A_81 = arith.subi %mul3A_16, %while3A : i32
        %while3A_82 = arith.addi %while3A, %while3A_81 : i32
        %while3A_83 = arith.constant 1 : i32
        %while3A_84 = arith.divsi %while3A_81, %while3A_83 : i32
        %while3A_85 = arith.muli %while3A_84, %while3A_83 : i32
        %while3A_86 = arith.addi %while3A, %while3A_85 : i32
        %while3A_87 = arith.constant 1 : i32
        %while3A_88:5 = scf.for %while3A_142 = %while3A to %while3A_86 step %while3A_87 iter_args(%while3A_143 = %select_n3A_76, %while3A_144 = %while3A_77, %while3A_145 = %while3A_78, %while3A_146 = %while3A_79, %while3A_147 = %while3A_80) -> (i32, i32, i32, i32, i32)  : i32 {
          %mul3A_148 = arith.constant 1 : i32
          %mul3A_149 = arith.muli %mul3A_148, %select_n3A : i32
          %eq3A_150 = arith.constant 0 : i32
          %eq3A_151 = arith.cmpi eq, %while3A_142, %eq3A_150 : i32
          %sub3A_152 = arith.constant 1 : i32
          %sub3A_153 = arith.subi %mul3A_149, %sub3A_152 : i32
          %eq3A_154 = arith.cmpi eq, %while3A_142, %sub3A_153 : i32
          %add3A_155 = arith.addi %while3A_147, %select_n3A_14 : i32
          %sub3A_156 = arith.constant 1 : i32
          %sub3A_157 = arith.subi %while3A_147, %sub3A_156 : i32
          %select_n3A_158 = arith.constant true
          %select_n3A_159 = arith.select %select_n3A_158, %sub3A_157, %while3A_147 : i32
          %eq3A_160 = arith.constant -1 : i32
          %eq3A_161 = arith.cmpi eq, %select_n3A_159, %eq3A_160 : i32
          %sub3A_162 = arith.constant 1 : i32
          %sub3A_163 = arith.subi %select_n3A, %sub3A_162 : i32
          %select_n3A_164 = arith.select %eq3A_161, %sub3A_163, %select_n3A_159 : i32
          %add3A_165 = arith.addi %select_n3A_164, %select_n3A_14 : i32
          %add3A_166 = arith.constant 1 : i32
          %add3A_167 = arith.addi %while3A_147, %add3A_166 : i32
          %select_n3A_168 = arith.constant true
          %select_n3A_169 = arith.select %select_n3A_168, %add3A_167, %while3A_147 : i32
          %eq3A_170 = arith.cmpi eq, %select_n3A_169, %select_n3A : i32
          %select_n3A_171 = arith.constant 0 : i32
          %select_n3A_172 = arith.select %eq3A_170, %select_n3A_171, %select_n3A_169 : i32
          %add3A_173 = arith.addi %select_n3A_172, %select_n3A_14 : i32
          %add3A_174 = arith.constant 1 : i32
          %add3A_175 = arith.addi %select_n3A_172, %add3A_174 : i32
          %select_n3A_176 = arith.constant true
          %select_n3A_177 = arith.select %select_n3A_176, %add3A_175, %select_n3A_172 : i32
          %eq3A_178 = arith.cmpi eq, %select_n3A_177, %select_n3A : i32
          %select_n3A_179 = arith.constant 0 : i32
          %select_n3A_180 = arith.select %eq3A_178, %select_n3A_179, %select_n3A_177 : i32
          %add3A_181 = arith.addi %select_n3A_180, %select_n3A_14 : i32
          %ne3A = arith.cmpi ne, %add3A_155, %add3A_173 : i32
          %or3A = arith.constant false
          %or3A_182 = arith.ori %or3A, %ne3A : i1
          %sub3A_183 = arith.constant 2 : i32
          %sub3A_184 = arith.subi %mul3A_149, %sub3A_183 : i32
          %add3A_185 = arith.constant 1 : i32
          %add3A_186 = arith.addi %sub3A_184, %add3A_185 : i32
          %ge3A = arith.cmpi sge, %while3A_142, %add3A_186 : i32
          %not3A = arith.constant true
          %not3A_187 = arith.xori %ge3A, %not3A : i1
          %and3A = arith.andi %or3A_182, %not3A_187 : i1
          %convert_element_type3A_188 = arith.extui %and3A : i1 to i32
          %cond3A_189 = arith.constant 0 : i32
          %cond3A_190 = arith.cmpi ne, %convert_element_type3A_188, %cond3A_189 : i32
          scf.if %cond3A_190 {
            "tpu.trace_start"() <{level = 10 : i32, message = "ep_copy_in"}> : () -> ()
            %rem3A_294 = arith.constant 2 : i32
            %rem3A_295 = arith.remui %while3A_143, %rem3A_294 : i32
            %mul3A_296 = arith.constant 128 : i32
            %mul3A_297 = arith.muli %mul3A_296, %add3A_173 : i32
            %dma_start3A_298 = arith.constant 0 : i32
            %dma_start3A_299 = arith.constant 0 : i32
            %dma_start3A_300 = tpu.memref_slice %run_scoped3A[%rem3A_295, %dma_start3A_298, %dma_start3A_299] : memref<2x1x128xi32, #tpu.memory_space<vmem>> -> memref<1x1x128xi32, #tpu.memory_space<vmem>>
            %dma_start3A_301 = tpu.memref_squeeze %dma_start3A_300 : memref<1x1x128xi32, #tpu.memory_space<vmem>> -> memref<1x128xi32, #tpu.memory_space<vmem>>
            %dma_start3A_302 = arith.constant 0 : i32
            %dma_start3A_303 = tpu.memref_slice %arg3[%dma_start3A_302, %mul3A_297] : memref<1x6272xi32, #tpu.memory_space<hbm>> -> memref<1x128xi32, #tpu.memory_space<hbm>>
            %dma_start3A_304 = tpu.memref_slice %run_scoped3A_17[%rem3A_295] : memref<2x!tpu.dma_semaphore, #tpu.memory_space<semaphore_mem>> -> memref<1x!tpu.dma_semaphore, #tpu.memory_space<semaphore_mem>>
            %dma_start3A_305 = tpu.memref_squeeze %dma_start3A_304 : memref<1x!tpu.dma_semaphore, #tpu.memory_space<semaphore_mem>> -> memref<!tpu.dma_semaphore, #tpu.memory_space<semaphore_mem>>
            %dma_start3A_306 = arith.constant 0 : i32
            %dma_start3A_307 = arith.constant 0 : i32
            %dma_start3A_308 = tpu.memref_slice %run_scoped3A[%rem3A_295, %dma_start3A_306, %dma_start3A_307] : memref<2x1x128xi32, #tpu.memory_space<vmem>> -> memref<1x1x128xi32, #tpu.memory_space<vmem>>
            %dma_start3A_309 = tpu.memref_squeeze %dma_start3A_308 : memref<1x1x128xi32, #tpu.memory_space<vmem>> -> memref<1x128xi32, #tpu.memory_space<vmem>>
            %dma_start3A_310 = arith.constant 0 : i32
            %dma_start3A_311 = tpu.memref_slice %arg3[%dma_start3A_310, %mul3A_297] : memref<1x6272xi32, #tpu.memory_space<hbm>> -> memref<1x128xi32, #tpu.memory_space<hbm>>
            tpu.enqueue_dma source(%dma_start3A_311 : memref<1x128xi32, #tpu.memory_space<hbm>>) target(%dma_start3A_309 : memref<1x128xi32, #tpu.memory_space<vmem>>) target_semaphore(%dma_start3A_305 : memref<!tpu.dma_semaphore, #tpu.memory_space<semaphore_mem>>)
            "tpu.trace_stop"() : () -> ()
          } else {
          }
          %and3A_191 = arith.constant true
          %and3A_192 = arith.andi %and3A, %and3A_191 : i1
          %add3A_193 = arith.constant 1 : i32
          %add3A_194 = arith.addi %while3A_143, %add3A_193 : i32
          %select_n3A_195 = arith.select %and3A_192, %add3A_194, %while3A_143 : i32
          %ne3A_196 = arith.cmpi ne, %add3A_155, %add3A_173 : i32
          %or3A_197 = arith.constant false
          %or3A_198 = arith.ori %or3A_197, %ne3A_196 : i1
          %or3A_199 = arith.constant false
          %or3A_200 = arith.ori %or3A_198, %or3A_199 : i1
          %sub3A_201 = arith.constant 2 : i32
          %sub3A_202 = arith.subi %mul3A_149, %sub3A_201 : i32
          %add3A_203 = arith.constant 1 : i32
          %add3A_204 = arith.addi %sub3A_202, %add3A_203 : i32
          %ge3A_205 = arith.cmpi sge, %while3A_142, %add3A_204 : i32
          %not3A_206 = arith.constant true
          %not3A_207 = arith.xori %ge3A_205, %not3A_206 : i1
          %and3A_208 = arith.andi %or3A_200, %not3A_207 : i1
          %ne3A_209 = arith.cmpi ne, %add3A_155, %add3A_165 : i32
          %or3A_210 = arith.constant false
          %or3A_211 = arith.ori %or3A_210, %ne3A_209 : i1
          %or3A_212 = arith.ori %or3A_211, %eq3A_151 : i1
          %convert_element_type3A_213 = arith.extui %or3A_212 : i1 to i32
          %cond3A_214 = arith.constant 0 : i32
          %cond3A_215 = arith.cmpi ne, %convert_element_type3A_213, %cond3A_214 : i32
          scf.if %cond3A_215 {
            "tpu.trace_start"() <{level = 10 : i32, message = "ep_wait_in"}> : () -> ()
            %mul3A_294 = arith.constant 128 : i32
            %mul3A_295 = arith.muli %mul3A_294, %add3A_155 : i32
            %rem3A_296 = arith.constant 2 : i32
            %rem3A_297 = arith.remui %while3A_144, %rem3A_296 : i32
            %dma_wait3A = arith.constant 0 : i32
            %dma_wait3A_298 = arith.constant 0 : i32
            %dma_wait3A_299 = tpu.memref_slice %run_scoped3A[%rem3A_297, %dma_wait3A, %dma_wait3A_298] : memref<2x1x128xi32, #tpu.memory_space<vmem>> -> memref<1x1x128xi32, #tpu.memory_space<vmem>>
            %dma_wait3A_300 = tpu.memref_squeeze %dma_wait3A_299 : memref<1x1x128xi32, #tpu.memory_space<vmem>> -> memref<1x128xi32, #tpu.memory_space<vmem>>
            %dma_wait3A_301 = arith.constant 0 : i32
            %dma_wait3A_302 = tpu.memref_slice %arg3[%dma_wait3A_301, %mul3A_295] : memref<1x6272xi32, #tpu.memory_space<hbm>> -> memref<1x128xi32, #tpu.memory_space<hbm>>
            %dma_wait3A_303 = tpu.memref_slice %run_scoped3A_17[%rem3A_297] : memref<2x!tpu.dma_semaphore, #tpu.memory_space<semaphore_mem>> -> memref<1x!tpu.dma_semaphore, #tpu.memory_space<semaphore_mem>>
            %dma_wait3A_304 = tpu.memref_squeeze %dma_wait3A_303 : memref<1x!tpu.dma_semaphore, #tpu.memory_space<semaphore_mem>> -> memref<!tpu.dma_semaphore, #tpu.memory_space<semaphore_mem>>
            %dma_wait3A_305 = arith.constant 0 : i32
            %dma_wait3A_306 = arith.constant 0 : i32
            %dma_wait3A_307 = tpu.memref_slice %run_scoped3A[%rem3A_297, %dma_wait3A_305, %dma_wait3A_306] : memref<2x1x128xi32, #tpu.memory_space<vmem>> -> memref<1x1x128xi32, #tpu.memory_space<vmem>>
            %dma_wait3A_308 = tpu.memref_squeeze %dma_wait3A_307 : memref<1x1x128xi32, #tpu.memory_space<vmem>> -> memref<1x128xi32, #tpu.memory_space<vmem>>
            %dma_wait3A_309 = arith.constant 0 : i32
            %dma_wait3A_310 = tpu.memref_slice %arg3[%dma_wait3A_309, %mul3A_295] : memref<1x6272xi32, #tpu.memory_space<hbm>> -> memref<1x128xi32, #tpu.memory_space<hbm>>
            tpu.wait_dma2 semaphore(%dma_wait3A_304 : memref<!tpu.dma_semaphore, #tpu.memory_space<semaphore_mem>>) src(%dma_wait3A_310 : memref<1x128xi32, #tpu.memory_space<hbm>>) dst(%dma_wait3A_308 : memref<1x128xi32, #tpu.memory_space<vmem>>)
            "tpu.trace_stop"() : () -> ()
          } else {
          }
          %ne3A_216 = arith.cmpi ne, %add3A_155, %add3A_165 : i32
          %or3A_217 = arith.constant false
          %or3A_218 = arith.ori %or3A_217, %ne3A_216 : i1
          %or3A_219 = arith.constant false
          %or3A_220 = arith.ori %or3A_218, %or3A_219 : i1
          %or3A_221 = arith.ori %or3A_220, %eq3A_151 : i1
          %convert_element_type3A_222 = arith.extui %or3A_221 : i1 to i32
          %cond3A_223 = arith.constant 0 : i32
          %cond3A_224 = arith.cmpi ne, %convert_element_type3A_222, %cond3A_223 : i32
          scf.if %cond3A_224 {
          } else {
          }
          %rem3A_225 = arith.constant 2 : i32
          %rem3A_226 = arith.remui %while3A_144, %rem3A_225 : i32
          %rem3A_227 = arith.constant 2 : i32
          %rem3A_228 = arith.remui %while3A_145, %rem3A_227 : i32
          %run_scoped3A_229 = arith.constant 0 : i32
          "tpu.trace_start"() <{level = 10 : i32, message = "ep_run_kernel"}> : () -> ()
          "tpu.region"() ({
            %run_scoped3A_294 = tpu.sem_alloc : memref<!tpu.dma_semaphore, #tpu.memory_space<semaphore_mem>>
            %dma_start3A_295 = arith.constant 0 : i32
            %dma_start3A_296 = arith.constant 0 : i32
            %dma_start3A_297 = tpu.memref_slice %run_scoped3A_18[%rem3A_228, %dma_start3A_295, %dma_start3A_296] : memref<2x128x128xf32, #tpu.memory_space<vmem>> -> memref<1x128x128xf32, #tpu.memory_space<vmem>>
            %dma_start3A_298 = tpu.memref_squeeze %dma_start3A_297 : memref<1x128x128xf32, #tpu.memory_space<vmem>> -> memref<128x128xf32, #tpu.memory_space<vmem>>
            %dma_start3A_299 = arith.constant 0 : i32
            %dma_start3A_300 = arith.constant 0 : i32
            %dma_start3A_301 = tpu.memref_slice %run_scoped3A[%rem3A_226, %dma_start3A_299, %dma_start3A_300] : memref<2x1x128xi32, #tpu.memory_space<vmem>> -> memref<1x1x128xi32, #tpu.memory_space<vmem>>
            %dma_start3A_302 = tpu.memref_squeeze %dma_start3A_301 : memref<1x1x128xi32, #tpu.memory_space<vmem>> -> memref<1x128xi32, #tpu.memory_space<vmem>>
            %dma_start3A_303 = arith.constant 0 : i32
            %dma_start3A_304 = tpu.memref_slice %dma_start3A_302[%run_scoped3A_229, %dma_start3A_303] : memref<1x128xi32, #tpu.memory_space<vmem>> -> memref<1x128xi32, #tpu.memory_space<vmem>>
            %dma_start3A_305 = tpu.memref_squeeze %dma_start3A_304 : memref<1x128xi32, #tpu.memory_space<vmem>> -> memref<128xi32, #tpu.memory_space<vmem>>
            %dma_start3A_306 = arith.constant 0 : i32
            %dma_start3A_307 = arith.constant 0 : i32
            %dma_start3A_308 = tpu.memref_slice %arg2[%dma_start3A_306, %dma_start3A_307] : memref<8192x128xf32, #tpu.memory_space<hbm>> -> memref<8192x128xf32, #tpu.memory_space<hbm>>
            tpu.enqueue_indirect_dma source(%dma_start3A_308 : memref<8192x128xf32, #tpu.memory_space<hbm>>) target(%dma_start3A_298 : memref<128x128xf32, #tpu.memory_space<vmem>>) offsets(%dma_start3A_305 : memref<128xi32, #tpu.memory_space<vmem>>) semaphore(%run_scoped3A_294 : memref<!tpu.dma_semaphore, #tpu.memory_space<semaphore_mem>>)
            %dma_wait3A = arith.constant 0 : i32
            %dma_wait3A_309 = arith.constant 0 : i32
            %dma_wait3A_310 = tpu.memref_slice %run_scoped3A_18[%rem3A_228, %dma_wait3A, %dma_wait3A_309] : memref<2x128x128xf32, #tpu.memory_space<vmem>> -> memref<1x128x128xf32, #tpu.memory_space<vmem>>
            %dma_wait3A_311 = tpu.memref_squeeze %dma_wait3A_310 : memref<1x128x128xf32, #tpu.memory_space<vmem>> -> memref<128x128xf32, #tpu.memory_space<vmem>>
            %dma_wait3A_312 = arith.constant 0 : i32
            %dma_wait3A_313 = arith.constant 0 : i32
            %dma_wait3A_314 = tpu.memref_slice %run_scoped3A[%rem3A_226, %dma_wait3A_312, %dma_wait3A_313] : memref<2x1x128xi32, #tpu.memory_space<vmem>> -> memref<1x1x128xi32, #tpu.memory_space<vmem>>
            %dma_wait3A_315 = tpu.memref_squeeze %dma_wait3A_314 : memref<1x1x128xi32, #tpu.memory_space<vmem>> -> memref<1x128xi32, #tpu.memory_space<vmem>>
            %dma_wait3A_316 = arith.constant 0 : i32
            %dma_wait3A_317 = tpu.memref_slice %dma_wait3A_315[%run_scoped3A_229, %dma_wait3A_316] : memref<1x128xi32, #tpu.memory_space<vmem>> -> memref<1x128xi32, #tpu.memory_space<vmem>>
            %dma_wait3A_318 = tpu.memref_squeeze %dma_wait3A_317 : memref<1x128xi32, #tpu.memory_space<vmem>> -> memref<128xi32, #tpu.memory_space<vmem>>
            %dma_wait3A_319 = arith.constant 0 : i32
            %dma_wait3A_320 = arith.constant 0 : i32
            %dma_wait3A_321 = tpu.memref_slice %arg2[%dma_wait3A_319, %dma_wait3A_320] : memref<8192x128xf32, #tpu.memory_space<hbm>> -> memref<8192x128xf32, #tpu.memory_space<hbm>>
            tpu.wait_indirect_dma semaphore(%run_scoped3A_294 : memref<!tpu.dma_semaphore, #tpu.memory_space<semaphore_mem>>) src(%dma_wait3A_321 : memref<8192x128xf32, #tpu.memory_space<hbm>>) dst(%dma_wait3A_311 : memref<128x128xf32, #tpu.memory_space<vmem>>)
            tpu.yield
          }) : () -> ()
          "tpu.trace_stop"() : () -> ()
          %ne3A_230 = arith.cmpi ne, %add3A_155, %add3A_173 : i32
          %or3A_231 = arith.constant false
          %or3A_232 = arith.ori %or3A_231, %ne3A_230 : i1
          %or3A_233 = arith.ori %or3A_232, %eq3A_154 : i1
          %convert_element_type3A_234 = arith.extui %or3A_233 : i1 to i32
          %cond3A_235 = arith.constant 0 : i32
          %cond3A_236 = arith.cmpi ne, %convert_element_type3A_234, %cond3A_235 : i32
          scf.if %cond3A_236 {
          } else {
          }
          %and3A_237 = arith.constant false
          %and3A_238 = arith.andi %or3A_233, %and3A_237 : i1
          %ne3A_239 = arith.cmpi ne, %add3A_155, %add3A_173 : i32
          %or3A_240 = arith.constant false
          %or3A_241 = arith.ori %or3A_240, %ne3A_239 : i1
          %or3A_242 = arith.constant false
          %or3A_243 = arith.ori %or3A_241, %or3A_242 : i1
          %or3A_244 = arith.ori %or3A_243, %eq3A_154 : i1
          %convert_element_type3A_245 = arith.extui %or3A_244 : i1 to i32
          %cond3A_246 = arith.constant 0 : i32
          %cond3A_247 = arith.cmpi ne, %convert_element_type3A_245, %cond3A_246 : i32
          scf.if %cond3A_247 {
            "tpu.trace_start"() <{level = 10 : i32, message = "ep_copy_out"}> : () -> ()
            %rem3A_294 = arith.constant 2 : i32
            %rem3A_295 = arith.remui %while3A_145, %rem3A_294 : i32
            %mul3A_296 = arith.constant 128 : i32
            %mul3A_297 = arith.muli %mul3A_296, %add3A_155 : i32
            %dma_start3A_298 = arith.constant 0 : i32
            %dma_start3A_299 = arith.constant 0 : i32
            %dma_start3A_300 = tpu.memref_slice %run_scoped3A_18[%rem3A_295, %dma_start3A_298, %dma_start3A_299] : memref<2x128x128xf32, #tpu.memory_space<vmem>> -> memref<1x128x128xf32, #tpu.memory_space<vmem>>
            %dma_start3A_301 = tpu.memref_squeeze %dma_start3A_300 : memref<1x128x128xf32, #tpu.memory_space<vmem>> -> memref<128x128xf32, #tpu.memory_space<vmem>>
            %dma_start3A_302 = arith.constant 0 : i32
            %dma_start3A_303 = tpu.memref_slice %arg4[%mul3A_297, %dma_start3A_302] : memref<6272x128xf32, #tpu.memory_space<hbm>> -> memref<128x128xf32, #tpu.memory_space<hbm>>
            %dma_start3A_304 = tpu.memref_slice %run_scoped3A_19[%rem3A_295] : memref<2x!tpu.dma_semaphore, #tpu.memory_space<semaphore_mem>> -> memref<1x!tpu.dma_semaphore, #tpu.memory_space<semaphore_mem>>
            %dma_start3A_305 = tpu.memref_squeeze %dma_start3A_304 : memref<1x!tpu.dma_semaphore, #tpu.memory_space<semaphore_mem>> -> memref<!tpu.dma_semaphore, #tpu.memory_space<semaphore_mem>>
            %dma_start3A_306 = arith.constant 0 : i32
            %dma_start3A_307 = tpu.memref_slice %arg4[%mul3A_297, %dma_start3A_306] : memref<6272x128xf32, #tpu.memory_space<hbm>> -> memref<128x128xf32, #tpu.memory_space<hbm>>
            %dma_start3A_308 = arith.constant 0 : i32
            %dma_start3A_309 = arith.constant 0 : i32
            %dma_start3A_310 = tpu.memref_slice %run_scoped3A_18[%rem3A_295, %dma_start3A_308, %dma_start3A_309] : memref<2x128x128xf32, #tpu.memory_space<vmem>> -> memref<1x128x128xf32, #tpu.memory_space<vmem>>
            %dma_start3A_311 = tpu.memref_squeeze %dma_start3A_310 : memref<1x128x128xf32, #tpu.memory_space<vmem>> -> memref<128x128xf32, #tpu.memory_space<vmem>>
            tpu.enqueue_dma source(%dma_start3A_311 : memref<128x128xf32, #tpu.memory_space<vmem>>) target(%dma_start3A_307 : memref<128x128xf32, #tpu.memory_space<hbm>>) target_semaphore(%dma_start3A_305 : memref<!tpu.dma_semaphore, #tpu.memory_space<semaphore_mem>>)
            "tpu.trace_stop"() : () -> ()
          } else {
          }
          %and3A_248 = arith.constant true
          %and3A_249 = arith.andi %or3A_244, %and3A_248 : i1
          %add3A_250 = arith.constant 1 : i32
          %add3A_251 = arith.addi %while3A_145, %add3A_250 : i32
          %select_n3A_252 = arith.select %and3A_249, %add3A_251, %while3A_145 : i32
          %ne3A_253 = arith.cmpi ne, %add3A_155, %add3A_165 : i32
          %or3A_254 = arith.constant false
          %or3A_255 = arith.ori %or3A_254, %ne3A_253 : i1
          %not3A_256 = arith.constant true
          %not3A_257 = arith.xori %eq3A_151, %not3A_256 : i1
          %and3A_258 = arith.andi %or3A_255, %not3A_257 : i1
          %convert_element_type3A_259 = arith.extui %and3A_258 : i1 to i32
          %cond3A_260 = arith.constant 0 : i32
          %cond3A_261 = arith.cmpi ne, %convert_element_type3A_259, %cond3A_260 : i32
          scf.if %cond3A_261 {
          } else {
          }
          %and3A_262 = arith.constant false
          %and3A_263 = arith.andi %and3A_258, %and3A_262 : i1
          %ne3A_264 = arith.cmpi ne, %add3A_155, %add3A_165 : i32
          %or3A_265 = arith.constant false
          %or3A_266 = arith.ori %or3A_265, %ne3A_264 : i1
          %or3A_267 = arith.constant false
          %or3A_268 = arith.ori %or3A_266, %or3A_267 : i1
          %not3A_269 = arith.constant true
          %not3A_270 = arith.xori %eq3A_151, %not3A_269 : i1
          %and3A_271 = arith.andi %or3A_268, %not3A_270 : i1
          %convert_element_type3A_272 = arith.extui %and3A_271 : i1 to i32
          %cond3A_273 = arith.constant 0 : i32
          %cond3A_274 = arith.cmpi ne, %convert_element_type3A_272, %cond3A_273 : i32
          scf.if %cond3A_274 {
            "tpu.trace_start"() <{level = 10 : i32, message = "ep_wait_out"}> : () -> ()
            %rem3A_294 = arith.constant 2 : i32
            %rem3A_295 = arith.remui %while3A_146, %rem3A_294 : i32
            %mul3A_296 = arith.constant 128 : i32
            %mul3A_297 = arith.muli %mul3A_296, %add3A_165 : i32
            %dma_wait3A = arith.constant 0 : i32
            %dma_wait3A_298 = arith.constant 0 : i32
            %dma_wait3A_299 = tpu.memref_slice %run_scoped3A_18[%rem3A_295, %dma_wait3A, %dma_wait3A_298] : memref<2x128x128xf32, #tpu.memory_space<vmem>> -> memref<1x128x128xf32, #tpu.memory_space<vmem>>
            %dma_wait3A_300 = tpu.memref_squeeze %dma_wait3A_299 : memref<1x128x128xf32, #tpu.memory_space<vmem>> -> memref<128x128xf32, #tpu.memory_space<vmem>>
            %dma_wait3A_301 = arith.constant 0 : i32
            %dma_wait3A_302 = tpu.memref_slice %arg4[%mul3A_297, %dma_wait3A_301] : memref<6272x128xf32, #tpu.memory_space<hbm>> -> memref<128x128xf32, #tpu.memory_space<hbm>>
            %dma_wait3A_303 = tpu.memref_slice %run_scoped3A_19[%rem3A_295] : memref<2x!tpu.dma_semaphore, #tpu.memory_space<semaphore_mem>> -> memref<1x!tpu.dma_semaphore, #tpu.memory_space<semaphore_mem>>
            %dma_wait3A_304 = tpu.memref_squeeze %dma_wait3A_303 : memref<1x!tpu.dma_semaphore, #tpu.memory_space<semaphore_mem>> -> memref<!tpu.dma_semaphore, #tpu.memory_space<semaphore_mem>>
            %dma_wait3A_305 = arith.constant 0 : i32
            %dma_wait3A_306 = tpu.memref_slice %arg4[%mul3A_297, %dma_wait3A_305] : memref<6272x128xf32, #tpu.memory_space<hbm>> -> memref<128x128xf32, #tpu.memory_space<hbm>>
            %dma_wait3A_307 = arith.constant 0 : i32
            %dma_wait3A_308 = arith.constant 0 : i32
            %dma_wait3A_309 = tpu.memref_slice %run_scoped3A_18[%rem3A_295, %dma_wait3A_307, %dma_wait3A_308] : memref<2x128x128xf32, #tpu.memory_space<vmem>> -> memref<1x128x128xf32, #tpu.memory_space<vmem>>
            %dma_wait3A_310 = tpu.memref_squeeze %dma_wait3A_309 : memref<1x128x128xf32, #tpu.memory_space<vmem>> -> memref<128x128xf32, #tpu.memory_space<vmem>>
            tpu.wait_dma2 semaphore(%dma_wait3A_304 : memref<!tpu.dma_semaphore, #tpu.memory_space<semaphore_mem>>) src(%dma_wait3A_310 : memref<128x128xf32, #tpu.memory_space<vmem>>) dst(%dma_wait3A_306 : memref<128x128xf32, #tpu.memory_space<hbm>>)
            "tpu.trace_stop"() : () -> ()
          } else {
          }
          %and3A_275 = arith.constant true
          %and3A_276 = arith.andi %and3A_271, %and3A_275 : i1
          %add3A_277 = arith.constant 1 : i32
          %add3A_278 = arith.addi %while3A_146, %add3A_277 : i32
          %select_n3A_279 = arith.select %and3A_276, %add3A_278, %while3A_146 : i32
          %ne3A_280 = arith.cmpi ne, %add3A_155, %add3A_173 : i32
          %or3A_281 = arith.constant false
          %or3A_282 = arith.ori %or3A_281, %ne3A_280 : i1
          %or3A_283 = arith.ori %or3A_282, %eq3A_154 : i1
          %add3A_284 = arith.constant 1 : i32
          %add3A_285 = arith.addi %while3A_144, %add3A_284 : i32
          %select_n3A_286 = arith.select %or3A_283, %add3A_285, %while3A_144 : i32
          %add3A_287 = arith.constant 1 : i32
          %add3A_288 = arith.addi %while3A_147, %add3A_287 : i32
          %select_n3A_289 = arith.constant true
          %select_n3A_290 = arith.select %select_n3A_289, %add3A_288, %while3A_147 : i32
          %eq3A_291 = arith.cmpi eq, %select_n3A_290, %select_n3A : i32
          %select_n3A_292 = arith.constant 0 : i32
          %select_n3A_293 = arith.select %eq3A_291, %select_n3A_292, %select_n3A_290 : i32
          scf.yield %select_n3A_195, %select_n3A_286, %select_n3A_252, %select_n3A_279, %select_n3A_293 : i32, i32, i32, i32, i32
        }
        %while3A_89 = arith.constant 1 : i32
        %while3A_90:5 = scf.for %while3A_142 = %while3A_86 to %while3A_82 step %while3A_89 iter_args(%while3A_143 = %while3A_88#0, %while3A_144 = %while3A_88#1, %while3A_145 = %while3A_88#2, %while3A_146 = %while3A_88#3, %while3A_147 = %while3A_88#4) -> (i32, i32, i32, i32, i32)  : i32 {
          %mul3A_148 = arith.constant 1 : i32
          %mul3A_149 = arith.muli %mul3A_148, %select_n3A : i32
          %eq3A_150 = arith.constant 0 : i32
          %eq3A_151 = arith.cmpi eq, %while3A_142, %eq3A_150 : i32
          %sub3A_152 = arith.constant 1 : i32
          %sub3A_153 = arith.subi %mul3A_149, %sub3A_152 : i32
          %eq3A_154 = arith.cmpi eq, %while3A_142, %sub3A_153 : i32
          %add3A_155 = arith.addi %while3A_147, %select_n3A_14 : i32
          %sub3A_156 = arith.constant 1 : i32
          %sub3A_157 = arith.subi %while3A_147, %sub3A_156 : i32
          %select_n3A_158 = arith.constant true
          %select_n3A_159 = arith.select %select_n3A_158, %sub3A_157, %while3A_147 : i32
          %eq3A_160 = arith.constant -1 : i32
          %eq3A_161 = arith.cmpi eq, %select_n3A_159, %eq3A_160 : i32
          %sub3A_162 = arith.constant 1 : i32
          %sub3A_163 = arith.subi %select_n3A, %sub3A_162 : i32
          %select_n3A_164 = arith.select %eq3A_161, %sub3A_163, %select_n3A_159 : i32
          %add3A_165 = arith.addi %select_n3A_164, %select_n3A_14 : i32
          %add3A_166 = arith.constant 1 : i32
          %add3A_167 = arith.addi %while3A_147, %add3A_166 : i32
          %select_n3A_168 = arith.constant true
          %select_n3A_169 = arith.select %select_n3A_168, %add3A_167, %while3A_147 : i32
          %eq3A_170 = arith.cmpi eq, %select_n3A_169, %select_n3A : i32
          %select_n3A_171 = arith.constant 0 : i32
          %select_n3A_172 = arith.select %eq3A_170, %select_n3A_171, %select_n3A_169 : i32
          %add3A_173 = arith.addi %select_n3A_172, %select_n3A_14 : i32
          %add3A_174 = arith.constant 1 : i32
          %add3A_175 = arith.addi %select_n3A_172, %add3A_174 : i32
          %select_n3A_176 = arith.constant true
          %select_n3A_177 = arith.select %select_n3A_176, %add3A_175, %select_n3A_172 : i32
          %eq3A_178 = arith.cmpi eq, %select_n3A_177, %select_n3A : i32
          %select_n3A_179 = arith.constant 0 : i32
          %select_n3A_180 = arith.select %eq3A_178, %select_n3A_179, %select_n3A_177 : i32
          %add3A_181 = arith.addi %select_n3A_180, %select_n3A_14 : i32
          %ne3A = arith.cmpi ne, %add3A_155, %add3A_173 : i32
          %or3A = arith.constant false
          %or3A_182 = arith.ori %or3A, %ne3A : i1
          %sub3A_183 = arith.constant 2 : i32
          %sub3A_184 = arith.subi %mul3A_149, %sub3A_183 : i32
          %add3A_185 = arith.constant 1 : i32
          %add3A_186 = arith.addi %sub3A_184, %add3A_185 : i32
          %ge3A = arith.cmpi sge, %while3A_142, %add3A_186 : i32
          %not3A = arith.constant true
          %not3A_187 = arith.xori %ge3A, %not3A : i1
          %and3A = arith.andi %or3A_182, %not3A_187 : i1
          %convert_element_type3A_188 = arith.extui %and3A : i1 to i32
          %cond3A_189 = arith.constant 0 : i32
          %cond3A_190 = arith.cmpi ne, %convert_element_type3A_188, %cond3A_189 : i32
          scf.if %cond3A_190 {
            "tpu.trace_start"() <{level = 10 : i32, message = "ep_copy_in"}> : () -> ()
            %rem3A_294 = arith.constant 2 : i32
            %rem3A_295 = arith.remui %while3A_143, %rem3A_294 : i32
            %mul3A_296 = arith.constant 128 : i32
            %mul3A_297 = arith.muli %mul3A_296, %add3A_173 : i32
            %dma_start3A_298 = arith.constant 0 : i32
            %dma_start3A_299 = arith.constant 0 : i32
            %dma_start3A_300 = tpu.memref_slice %run_scoped3A[%rem3A_295, %dma_start3A_298, %dma_start3A_299] : memref<2x1x128xi32, #tpu.memory_space<vmem>> -> memref<1x1x128xi32, #tpu.memory_space<vmem>>
            %dma_start3A_301 = tpu.memref_squeeze %dma_start3A_300 : memref<1x1x128xi32, #tpu.memory_space<vmem>> -> memref<1x128xi32, #tpu.memory_space<vmem>>
            %dma_start3A_302 = arith.constant 0 : i32
            %dma_start3A_303 = tpu.memref_slice %arg3[%dma_start3A_302, %mul3A_297] : memref<1x6272xi32, #tpu.memory_space<hbm>> -> memref<1x128xi32, #tpu.memory_space<hbm>>
            %dma_start3A_304 = tpu.memref_slice %run_scoped3A_17[%rem3A_295] : memref<2x!tpu.dma_semaphore, #tpu.memory_space<semaphore_mem>> -> memref<1x!tpu.dma_semaphore, #tpu.memory_space<semaphore_mem>>
            %dma_start3A_305 = tpu.memref_squeeze %dma_start3A_304 : memref<1x!tpu.dma_semaphore, #tpu.memory_space<semaphore_mem>> -> memref<!tpu.dma_semaphore, #tpu.memory_space<semaphore_mem>>
            %dma_start3A_306 = arith.constant 0 : i32
            %dma_start3A_307 = arith.constant 0 : i32
            %dma_start3A_308 = tpu.memref_slice %run_scoped3A[%rem3A_295, %dma_start3A_306, %dma_start3A_307] : memref<2x1x128xi32, #tpu.memory_space<vmem>> -> memref<1x1x128xi32, #tpu.memory_space<vmem>>
            %dma_start3A_309 = tpu.memref_squeeze %dma_start3A_308 : memref<1x1x128xi32, #tpu.memory_space<vmem>> -> memref<1x128xi32, #tpu.memory_space<vmem>>
            %dma_start3A_310 = arith.constant 0 : i32
            %dma_start3A_311 = tpu.memref_slice %arg3[%dma_start3A_310, %mul3A_297] : memref<1x6272xi32, #tpu.memory_space<hbm>> -> memref<1x128xi32, #tpu.memory_space<hbm>>
            tpu.enqueue_dma source(%dma_start3A_311 : memref<1x128xi32, #tpu.memory_space<hbm>>) target(%dma_start3A_309 : memref<1x128xi32, #tpu.memory_space<vmem>>) target_semaphore(%dma_start3A_305 : memref<!tpu.dma_semaphore, #tpu.memory_space<semaphore_mem>>)
            "tpu.trace_stop"() : () -> ()
          } else {
          }
          %and3A_191 = arith.constant true
          %and3A_192 = arith.andi %and3A, %and3A_191 : i1
          %add3A_193 = arith.constant 1 : i32
          %add3A_194 = arith.addi %while3A_143, %add3A_193 : i32
          %select_n3A_195 = arith.select %and3A_192, %add3A_194, %while3A_143 : i32
          %ne3A_196 = arith.cmpi ne, %add3A_155, %add3A_173 : i32
          %or3A_197 = arith.constant false
          %or3A_198 = arith.ori %or3A_197, %ne3A_196 : i1
          %or3A_199 = arith.constant false
          %or3A_200 = arith.ori %or3A_198, %or3A_199 : i1
          %sub3A_201 = arith.constant 2 : i32
          %sub3A_202 = arith.subi %mul3A_149, %sub3A_201 : i32
          %add3A_203 = arith.constant 1 : i32
          %add3A_204 = arith.addi %sub3A_202, %add3A_203 : i32
          %ge3A_205 = arith.cmpi sge, %while3A_142, %add3A_204 : i32
          %not3A_206 = arith.constant true
          %not3A_207 = arith.xori %ge3A_205, %not3A_206 : i1
          %and3A_208 = arith.andi %or3A_200, %not3A_207 : i1
          %ne3A_209 = arith.cmpi ne, %add3A_155, %add3A_165 : i32
          %or3A_210 = arith.constant false
          %or3A_211 = arith.ori %or3A_210, %ne3A_209 : i1
          %or3A_212 = arith.ori %or3A_211, %eq3A_151 : i1
          %convert_element_type3A_213 = arith.extui %or3A_212 : i1 to i32
          %cond3A_214 = arith.constant 0 : i32
          %cond3A_215 = arith.cmpi ne, %convert_element_type3A_213, %cond3A_214 : i32
          scf.if %cond3A_215 {
            "tpu.trace_start"() <{level = 10 : i32, message = "ep_wait_in"}> : () -> ()
            %mul3A_294 = arith.constant 128 : i32
            %mul3A_295 = arith.muli %mul3A_294, %add3A_155 : i32
            %rem3A_296 = arith.constant 2 : i32
            %rem3A_297 = arith.remui %while3A_144, %rem3A_296 : i32
            %dma_wait3A = arith.constant 0 : i32
            %dma_wait3A_298 = arith.constant 0 : i32
            %dma_wait3A_299 = tpu.memref_slice %run_scoped3A[%rem3A_297, %dma_wait3A, %dma_wait3A_298] : memref<2x1x128xi32, #tpu.memory_space<vmem>> -> memref<1x1x128xi32, #tpu.memory_space<vmem>>
            %dma_wait3A_300 = tpu.memref_squeeze %dma_wait3A_299 : memref<1x1x128xi32, #tpu.memory_space<vmem>> -> memref<1x128xi32, #tpu.memory_space<vmem>>
            %dma_wait3A_301 = arith.constant 0 : i32
            %dma_wait3A_302 = tpu.memref_slice %arg3[%dma_wait3A_301, %mul3A_295] : memref<1x6272xi32, #tpu.memory_space<hbm>> -> memref<1x128xi32, #tpu.memory_space<hbm>>
            %dma_wait3A_303 = tpu.memref_slice %run_scoped3A_17[%rem3A_297] : memref<2x!tpu.dma_semaphore, #tpu.memory_space<semaphore_mem>> -> memref<1x!tpu.dma_semaphore, #tpu.memory_space<semaphore_mem>>
            %dma_wait3A_304 = tpu.memref_squeeze %dma_wait3A_303 : memref<1x!tpu.dma_semaphore, #tpu.memory_space<semaphore_mem>> -> memref<!tpu.dma_semaphore, #tpu.memory_space<semaphore_mem>>
            %dma_wait3A_305 = arith.constant 0 : i32
            %dma_wait3A_306 = arith.constant 0 : i32
            %dma_wait3A_307 = tpu.memref_slice %run_scoped3A[%rem3A_297, %dma_wait3A_305, %dma_wait3A_306] : memref<2x1x128xi32, #tpu.memory_space<vmem>> -> memref<1x1x128xi32, #tpu.memory_space<vmem>>
            %dma_wait3A_308 = tpu.memref_squeeze %dma_wait3A_307 : memref<1x1x128xi32, #tpu.memory_space<vmem>> -> memref<1x128xi32, #tpu.memory_space<vmem>>
            %dma_wait3A_309 = arith.constant 0 : i32
            %dma_wait3A_310 = tpu.memref_slice %arg3[%dma_wait3A_309, %mul3A_295] : memref<1x6272xi32, #tpu.memory_space<hbm>> -> memref<1x128xi32, #tpu.memory_space<hbm>>
            tpu.wait_dma2 semaphore(%dma_wait3A_304 : memref<!tpu.dma_semaphore, #tpu.memory_space<semaphore_mem>>) src(%dma_wait3A_310 : memref<1x128xi32, #tpu.memory_space<hbm>>) dst(%dma_wait3A_308 : memref<1x128xi32, #tpu.memory_space<vmem>>)
            "tpu.trace_stop"() : () -> ()
          } else {
          }
          %ne3A_216 = arith.cmpi ne, %add3A_155, %add3A_165 : i32
          %or3A_217 = arith.constant false
          %or3A_218 = arith.ori %or3A_217, %ne3A_216 : i1
          %or3A_219 = arith.constant false
          %or3A_220 = arith.ori %or3A_218, %or3A_219 : i1
          %or3A_221 = arith.ori %or3A_220, %eq3A_151 : i1
          %convert_element_type3A_222 = arith.extui %or3A_221 : i1 to i32
          %cond3A_223 = arith.constant 0 : i32
          %cond3A_224 = arith.cmpi ne, %convert_element_type3A_222, %cond3A_223 : i32
          scf.if %cond3A_224 {
          } else {
          }
          %rem3A_225 = arith.constant 2 : i32
          %rem3A_226 = arith.remui %while3A_144, %rem3A_225 : i32
          %rem3A_227 = arith.constant 2 : i32
          %rem3A_228 = arith.remui %while3A_145, %rem3A_227 : i32
          %run_scoped3A_229 = arith.constant 0 : i32
          "tpu.trace_start"() <{level = 10 : i32, message = "ep_run_kernel"}> : () -> ()
          "tpu.region"() ({
            %run_scoped3A_294 = tpu.sem_alloc : memref<!tpu.dma_semaphore, #tpu.memory_space<semaphore_mem>>
            %dma_start3A_295 = arith.constant 0 : i32
            %dma_start3A_296 = arith.constant 0 : i32
            %dma_start3A_297 = tpu.memref_slice %run_scoped3A_18[%rem3A_228, %dma_start3A_295, %dma_start3A_296] : memref<2x128x128xf32, #tpu.memory_space<vmem>> -> memref<1x128x128xf32, #tpu.memory_space<vmem>>
            %dma_start3A_298 = tpu.memref_squeeze %dma_start3A_297 : memref<1x128x128xf32, #tpu.memory_space<vmem>> -> memref<128x128xf32, #tpu.memory_space<vmem>>
            %dma_start3A_299 = arith.constant 0 : i32
            %dma_start3A_300 = arith.constant 0 : i32
            %dma_start3A_301 = tpu.memref_slice %run_scoped3A[%rem3A_226, %dma_start3A_299, %dma_start3A_300] : memref<2x1x128xi32, #tpu.memory_space<vmem>> -> memref<1x1x128xi32, #tpu.memory_space<vmem>>
            %dma_start3A_302 = tpu.memref_squeeze %dma_start3A_301 : memref<1x1x128xi32, #tpu.memory_space<vmem>> -> memref<1x128xi32, #tpu.memory_space<vmem>>
            %dma_start3A_303 = arith.constant 0 : i32
            %dma_start3A_304 = tpu.memref_slice %dma_start3A_302[%run_scoped3A_229, %dma_start3A_303] : memref<1x128xi32, #tpu.memory_space<vmem>> -> memref<1x128xi32, #tpu.memory_space<vmem>>
            %dma_start3A_305 = tpu.memref_squeeze %dma_start3A_304 : memref<1x128xi32, #tpu.memory_space<vmem>> -> memref<128xi32, #tpu.memory_space<vmem>>
            %dma_start3A_306 = arith.constant 0 : i32
            %dma_start3A_307 = arith.constant 0 : i32
            %dma_start3A_308 = tpu.memref_slice %arg2[%dma_start3A_306, %dma_start3A_307] : memref<8192x128xf32, #tpu.memory_space<hbm>> -> memref<8192x128xf32, #tpu.memory_space<hbm>>
            tpu.enqueue_indirect_dma source(%dma_start3A_308 : memref<8192x128xf32, #tpu.memory_space<hbm>>) target(%dma_start3A_298 : memref<128x128xf32, #tpu.memory_space<vmem>>) offsets(%dma_start3A_305 : memref<128xi32, #tpu.memory_space<vmem>>) semaphore(%run_scoped3A_294 : memref<!tpu.dma_semaphore, #tpu.memory_space<semaphore_mem>>)
            %dma_wait3A = arith.constant 0 : i32
            %dma_wait3A_309 = arith.constant 0 : i32
            %dma_wait3A_310 = tpu.memref_slice %run_scoped3A_18[%rem3A_228, %dma_wait3A, %dma_wait3A_309] : memref<2x128x128xf32, #tpu.memory_space<vmem>> -> memref<1x128x128xf32, #tpu.memory_space<vmem>>
            %dma_wait3A_311 = tpu.memref_squeeze %dma_wait3A_310 : memref<1x128x128xf32, #tpu.memory_space<vmem>> -> memref<128x128xf32, #tpu.memory_space<vmem>>
            %dma_wait3A_312 = arith.constant 0 : i32
            %dma_wait3A_313 = arith.constant 0 : i32
            %dma_wait3A_314 = tpu.memref_slice %run_scoped3A[%rem3A_226, %dma_wait3A_312, %dma_wait3A_313] : memref<2x1x128xi32, #tpu.memory_space<vmem>> -> memref<1x1x128xi32, #tpu.memory_space<vmem>>
            %dma_wait3A_315 = tpu.memref_squeeze %dma_wait3A_314 : memref<1x1x128xi32, #tpu.memory_space<vmem>> -> memref<1x128xi32, #tpu.memory_space<vmem>>
            %dma_wait3A_316 = arith.constant 0 : i32
            %dma_wait3A_317 = tpu.memref_slice %dma_wait3A_315[%run_scoped3A_229, %dma_wait3A_316] : memref<1x128xi32, #tpu.memory_space<vmem>> -> memref<1x128xi32, #tpu.memory_space<vmem>>
            %dma_wait3A_318 = tpu.memref_squeeze %dma_wait3A_317 : memref<1x128xi32, #tpu.memory_space<vmem>> -> memref<128xi32, #tpu.memory_space<vmem>>
            %dma_wait3A_319 = arith.constant 0 : i32
            %dma_wait3A_320 = arith.constant 0 : i32
            %dma_wait3A_321 = tpu.memref_slice %arg2[%dma_wait3A_319, %dma_wait3A_320] : memref<8192x128xf32, #tpu.memory_space<hbm>> -> memref<8192x128xf32, #tpu.memory_space<hbm>>
            tpu.wait_indirect_dma semaphore(%run_scoped3A_294 : memref<!tpu.dma_semaphore, #tpu.memory_space<semaphore_mem>>) src(%dma_wait3A_321 : memref<8192x128xf32, #tpu.memory_space<hbm>>) dst(%dma_wait3A_311 : memref<128x128xf32, #tpu.memory_space<vmem>>)
            tpu.yield
          }) : () -> ()
          "tpu.trace_stop"() : () -> ()
          %ne3A_230 = arith.cmpi ne, %add3A_155, %add3A_173 : i32
          %or3A_231 = arith.constant false
          %or3A_232 = arith.ori %or3A_231, %ne3A_230 : i1
          %or3A_233 = arith.ori %or3A_232, %eq3A_154 : i1
          %convert_element_type3A_234 = arith.extui %or3A_233 : i1 to i32
          %cond3A_235 = arith.constant 0 : i32
          %cond3A_236 = arith.cmpi ne, %convert_element_type3A_234, %cond3A_235 : i32
          scf.if %cond3A_236 {
          } else {
          }
          %and3A_237 = arith.constant false
          %and3A_238 = arith.andi %or3A_233, %and3A_237 : i1
          %ne3A_239 = arith.cmpi ne, %add3A_155, %add3A_173 : i32
          %or3A_240 = arith.constant false
          %or3A_241 = arith.ori %or3A_240, %ne3A_239 : i1
          %or3A_242 = arith.constant false
          %or3A_243 = arith.ori %or3A_241, %or3A_242 : i1
          %or3A_244 = arith.ori %or3A_243, %eq3A_154 : i1
          %convert_element_type3A_245 = arith.extui %or3A_244 : i1 to i32
          %cond3A_246 = arith.constant 0 : i32
          %cond3A_247 = arith.cmpi ne, %convert_element_type3A_245, %cond3A_246 : i32
          scf.if %cond3A_247 {
            "tpu.trace_start"() <{level = 10 : i32, message = "ep_copy_out"}> : () -> ()
            %rem3A_294 = arith.constant 2 : i32
            %rem3A_295 = arith.remui %while3A_145, %rem3A_294 : i32
            %mul3A_296 = arith.constant 128 : i32
            %mul3A_297 = arith.muli %mul3A_296, %add3A_155 : i32
            %dma_start3A_298 = arith.constant 0 : i32
            %dma_start3A_299 = arith.constant 0 : i32
            %dma_start3A_300 = tpu.memref_slice %run_scoped3A_18[%rem3A_295, %dma_start3A_298, %dma_start3A_299] : memref<2x128x128xf32, #tpu.memory_space<vmem>> -> memref<1x128x128xf32, #tpu.memory_space<vmem>>
            %dma_start3A_301 = tpu.memref_squeeze %dma_start3A_300 : memref<1x128x128xf32, #tpu.memory_space<vmem>> -> memref<128x128xf32, #tpu.memory_space<vmem>>
            %dma_start3A_302 = arith.constant 0 : i32
            %dma_start3A_303 = tpu.memref_slice %arg4[%mul3A_297, %dma_start3A_302] : memref<6272x128xf32, #tpu.memory_space<hbm>> -> memref<128x128xf32, #tpu.memory_space<hbm>>
            %dma_start3A_304 = tpu.memref_slice %run_scoped3A_19[%rem3A_295] : memref<2x!tpu.dma_semaphore, #tpu.memory_space<semaphore_mem>> -> memref<1x!tpu.dma_semaphore, #tpu.memory_space<semaphore_mem>>
            %dma_start3A_305 = tpu.memref_squeeze %dma_start3A_304 : memref<1x!tpu.dma_semaphore, #tpu.memory_space<semaphore_mem>> -> memref<!tpu.dma_semaphore, #tpu.memory_space<semaphore_mem>>
            %dma_start3A_306 = arith.constant 0 : i32
            %dma_start3A_307 = tpu.memref_slice %arg4[%mul3A_297, %dma_start3A_306] : memref<6272x128xf32, #tpu.memory_space<hbm>> -> memref<128x128xf32, #tpu.memory_space<hbm>>
            %dma_start3A_308 = arith.constant 0 : i32
            %dma_start3A_309 = arith.constant 0 : i32
            %dma_start3A_310 = tpu.memref_slice %run_scoped3A_18[%rem3A_295, %dma_start3A_308, %dma_start3A_309] : memref<2x128x128xf32, #tpu.memory_space<vmem>> -> memref<1x128x128xf32, #tpu.memory_space<vmem>>
            %dma_start3A_311 = tpu.memref_squeeze %dma_start3A_310 : memref<1x128x128xf32, #tpu.memory_space<vmem>> -> memref<128x128xf32, #tpu.memory_space<vmem>>
            tpu.enqueue_dma source(%dma_start3A_311 : memref<128x128xf32, #tpu.memory_space<vmem>>) target(%dma_start3A_307 : memref<128x128xf32, #tpu.memory_space<hbm>>) target_semaphore(%dma_start3A_305 : memref<!tpu.dma_semaphore, #tpu.memory_space<semaphore_mem>>)
            "tpu.trace_stop"() : () -> ()
          } else {
          }
          %and3A_248 = arith.constant true
          %and3A_249 = arith.andi %or3A_244, %and3A_248 : i1
          %add3A_250 = arith.constant 1 : i32
          %add3A_251 = arith.addi %while3A_145, %add3A_250 : i32
          %select_n3A_252 = arith.select %and3A_249, %add3A_251, %while3A_145 : i32
          %ne3A_253 = arith.cmpi ne, %add3A_155, %add3A_165 : i32
          %or3A_254 = arith.constant false
          %or3A_255 = arith.ori %or3A_254, %ne3A_253 : i1
          %not3A_256 = arith.constant true
          %not3A_257 = arith.xori %eq3A_151, %not3A_256 : i1
          %and3A_258 = arith.andi %or3A_255, %not3A_257 : i1
          %convert_element_type3A_259 = arith.extui %and3A_258 : i1 to i32
          %cond3A_260 = arith.constant 0 : i32
          %cond3A_261 = arith.cmpi ne, %convert_element_type3A_259, %cond3A_260 : i32
          scf.if %cond3A_261 {
          } else {
          }
          %and3A_262 = arith.constant false
          %and3A_263 = arith.andi %and3A_258, %and3A_262 : i1
          %ne3A_264 = arith.cmpi ne, %add3A_155, %add3A_165 : i32
          %or3A_265 = arith.constant false
          %or3A_266 = arith.ori %or3A_265, %ne3A_264 : i1
          %or3A_267 = arith.constant false
          %or3A_268 = arith.ori %or3A_266, %or3A_267 : i1
          %not3A_269 = arith.constant true
          %not3A_270 = arith.xori %eq3A_151, %not3A_269 : i1
          %and3A_271 = arith.andi %or3A_268, %not3A_270 : i1
          %convert_element_type3A_272 = arith.extui %and3A_271 : i1 to i32
          %cond3A_273 = arith.constant 0 : i32
          %cond3A_274 = arith.cmpi ne, %convert_element_type3A_272, %cond3A_273 : i32
          scf.if %cond3A_274 {
            "tpu.trace_start"() <{level = 10 : i32, message = "ep_wait_out"}> : () -> ()
            %rem3A_294 = arith.constant 2 : i32
            %rem3A_295 = arith.remui %while3A_146, %rem3A_294 : i32
            %mul3A_296 = arith.constant 128 : i32
            %mul3A_297 = arith.muli %mul3A_296, %add3A_165 : i32
            %dma_wait3A = arith.constant 0 : i32
            %dma_wait3A_298 = arith.constant 0 : i32
            %dma_wait3A_299 = tpu.memref_slice %run_scoped3A_18[%rem3A_295, %dma_wait3A, %dma_wait3A_298] : memref<2x128x128xf32, #tpu.memory_space<vmem>> -> memref<1x128x128xf32, #tpu.memory_space<vmem>>
            %dma_wait3A_300 = tpu.memref_squeeze %dma_wait3A_299 : memref<1x128x128xf32, #tpu.memory_space<vmem>> -> memref<128x128xf32, #tpu.memory_space<vmem>>
            %dma_wait3A_301 = arith.constant 0 : i32
            %dma_wait3A_302 = tpu.memref_slice %arg4[%mul3A_297, %dma_wait3A_301] : memref<6272x128xf32, #tpu.memory_space<hbm>> -> memref<128x128xf32, #tpu.memory_space<hbm>>
            %dma_wait3A_303 = tpu.memref_slice %run_scoped3A_19[%rem3A_295] : memref<2x!tpu.dma_semaphore, #tpu.memory_space<semaphore_mem>> -> memref<1x!tpu.dma_semaphore, #tpu.memory_space<semaphore_mem>>
            %dma_wait3A_304 = tpu.memref_squeeze %dma_wait3A_303 : memref<1x!tpu.dma_semaphore, #tpu.memory_space<semaphore_mem>> -> memref<!tpu.dma_semaphore, #tpu.memory_space<semaphore_mem>>
            %dma_wait3A_305 = arith.constant 0 : i32
            %dma_wait3A_306 = tpu.memref_slice %arg4[%mul3A_297, %dma_wait3A_305] : memref<6272x128xf32, #tpu.memory_space<hbm>> -> memref<128x128xf32, #tpu.memory_space<hbm>>
            %dma_wait3A_307 = arith.constant 0 : i32
            %dma_wait3A_308 = arith.constant 0 : i32
            %dma_wait3A_309 = tpu.memref_slice %run_scoped3A_18[%rem3A_295, %dma_wait3A_307, %dma_wait3A_308] : memref<2x128x128xf32, #tpu.memory_space<vmem>> -> memref<1x128x128xf32, #tpu.memory_space<vmem>>
            %dma_wait3A_310 = tpu.memref_squeeze %dma_wait3A_309 : memref<1x128x128xf32, #tpu.memory_space<vmem>> -> memref<128x128xf32, #tpu.memory_space<vmem>>
            tpu.wait_dma2 semaphore(%dma_wait3A_304 : memref<!tpu.dma_semaphore, #tpu.memory_space<semaphore_mem>>) src(%dma_wait3A_310 : memref<128x128xf32, #tpu.memory_space<vmem>>) dst(%dma_wait3A_306 : memref<128x128xf32, #tpu.memory_space<hbm>>)
            "tpu.trace_stop"() : () -> ()
          } else {
          }
          %and3A_275 = arith.constant true
          %and3A_276 = arith.andi %and3A_271, %and3A_275 : i1
          %add3A_277 = arith.constant 1 : i32
          %add3A_278 = arith.addi %while3A_146, %add3A_277 : i32
          %select_n3A_279 = arith.select %and3A_276, %add3A_278, %while3A_146 : i32
          %ne3A_280 = arith.cmpi ne, %add3A_155, %add3A_173 : i32
          %or3A_281 = arith.constant false
          %or3A_282 = arith.ori %or3A_281, %ne3A_280 : i1
          %or3A_283 = arith.ori %or3A_282, %eq3A_154 : i1
          %add3A_284 = arith.constant 1 : i32
          %add3A_285 = arith.addi %while3A_144, %add3A_284 : i32
          %select_n3A_286 = arith.select %or3A_283, %add3A_285, %while3A_144 : i32
          %add3A_287 = arith.constant 1 : i32
          %add3A_288 = arith.addi %while3A_147, %add3A_287 : i32
          %select_n3A_289 = arith.constant true
          %select_n3A_290 = arith.select %select_n3A_289, %add3A_288, %while3A_147 : i32
          %eq3A_291 = arith.cmpi eq, %select_n3A_290, %select_n3A : i32
          %select_n3A_292 = arith.constant 0 : i32
          %select_n3A_293 = arith.select %eq3A_291, %select_n3A_292, %select_n3A_290 : i32
          scf.yield %select_n3A_195, %select_n3A_286, %select_n3A_252, %select_n3A_279, %select_n3A_293 : i32, i32, i32, i32, i32
        }
        %sub3A_91 = arith.constant 1 : i32
        %sub3A_92 = arith.subi %while3A_90#4, %sub3A_91 : i32
        %select_n3A_93 = arith.constant true
        %select_n3A_94 = arith.select %select_n3A_93, %sub3A_92, %while3A_90#4 : i32
        %eq3A_95 = arith.constant -1 : i32
        %eq3A_96 = arith.cmpi eq, %select_n3A_94, %eq3A_95 : i32
        %sub3A_97 = arith.constant 1 : i32
        %sub3A_98 = arith.subi %select_n3A, %sub3A_97 : i32
        %select_n3A_99 = arith.select %eq3A_96, %sub3A_98, %select_n3A_94 : i32
        %sub3A_100 = arith.constant 1 : i32
        %sub3A_101 = arith.subi %mul3A_16, %sub3A_100 : i32
        %mul3A_102 = arith.constant 1 : i32
        %mul3A_103 = arith.muli %mul3A_102, %select_n3A : i32
        %eq3A_104 = arith.constant 0 : i32
        %eq3A_105 = arith.cmpi eq, %sub3A_101, %eq3A_104 : i32
        %sub3A_106 = arith.constant 1 : i32
        %sub3A_107 = arith.subi %mul3A_103, %sub3A_106 : i32
        %eq3A_108 = arith.cmpi eq, %sub3A_101, %sub3A_107 : i32
        %add3A_109 = arith.addi %select_n3A_99, %select_n3A_14 : i32
        %sub3A_110 = arith.constant 1 : i32
        %sub3A_111 = arith.subi %select_n3A_99, %sub3A_110 : i32
        %select_n3A_112 = arith.constant true
        %select_n3A_113 = arith.select %select_n3A_112, %sub3A_111, %select_n3A_99 : i32
        %eq3A_114 = arith.constant -1 : i32
        %eq3A_115 = arith.cmpi eq, %select_n3A_113, %eq3A_114 : i32
        %sub3A_116 = arith.constant 1 : i32
        %sub3A_117 = arith.subi %select_n3A, %sub3A_116 : i32
        %select_n3A_118 = arith.select %eq3A_115, %sub3A_117, %select_n3A_113 : i32
        %add3A_119 = arith.addi %select_n3A_118, %select_n3A_14 : i32
        %add3A_120 = arith.constant 1 : i32
        %add3A_121 = arith.addi %select_n3A_99, %add3A_120 : i32
        %select_n3A_122 = arith.constant true
        %select_n3A_123 = arith.select %select_n3A_122, %add3A_121, %select_n3A_99 : i32
        %eq3A_124 = arith.cmpi eq, %select_n3A_123, %select_n3A : i32
        %select_n3A_125 = arith.constant 0 : i32
        %select_n3A_126 = arith.select %eq3A_124, %select_n3A_125, %select_n3A_123 : i32
        %add3A_127 = arith.addi %select_n3A_126, %select_n3A_14 : i32
        %add3A_128 = arith.constant 1 : i32
        %add3A_129 = arith.addi %select_n3A_126, %add3A_128 : i32
        %select_n3A_130 = arith.constant true
        %select_n3A_131 = arith.select %select_n3A_130, %add3A_129, %select_n3A_126 : i32
        %eq3A_132 = arith.cmpi eq, %select_n3A_131, %select_n3A : i32
        %select_n3A_133 = arith.constant 0 : i32
        %select_n3A_134 = arith.select %eq3A_132, %select_n3A_133, %select_n3A_131 : i32
        %add3A_135 = arith.addi %select_n3A_134, %select_n3A_14 : i32
        %convert_element_type3A_136 = arith.extui %eq3A_108 : i1 to i32
        %cond3A_137 = arith.constant 0 : i32
        %cond3A_138 = arith.cmpi ne, %convert_element_type3A_136, %cond3A_137 : i32
        scf.if %cond3A_138 {
        } else {
        }
        %convert_element_type3A_139 = arith.extui %eq3A_108 : i1 to i32
        %cond3A_140 = arith.constant 0 : i32
        %cond3A_141 = arith.cmpi ne, %convert_element_type3A_139, %cond3A_140 : i32
        scf.if %cond3A_141 {
          "tpu.trace_start"() <{level = 10 : i32, message = "ep_finalize"}> : () -> ()
          %rem3A_142 = arith.constant 2 : i32
          %rem3A_143 = arith.remui %while3A_90#3, %rem3A_142 : i32
          %mul3A_144 = arith.constant 128 : i32
          %mul3A_145 = arith.muli %mul3A_144, %add3A_109 : i32
          %dma_wait3A = arith.constant 0 : i32
          %dma_wait3A_146 = arith.constant 0 : i32
          %dma_wait3A_147 = tpu.memref_slice %run_scoped3A_18[%rem3A_143, %dma_wait3A, %dma_wait3A_146] : memref<2x128x128xf32, #tpu.memory_space<vmem>> -> memref<1x128x128xf32, #tpu.memory_space<vmem>>
          %dma_wait3A_148 = tpu.memref_squeeze %dma_wait3A_147 : memref<1x128x128xf32, #tpu.memory_space<vmem>> -> memref<128x128xf32, #tpu.memory_space<vmem>>
          %dma_wait3A_149 = arith.constant 0 : i32
          %dma_wait3A_150 = tpu.memref_slice %arg4[%mul3A_145, %dma_wait3A_149] : memref<6272x128xf32, #tpu.memory_space<hbm>> -> memref<128x128xf32, #tpu.memory_space<hbm>>
          %dma_wait3A_151 = tpu.memref_slice %run_scoped3A_19[%rem3A_143] : memref<2x!tpu.dma_semaphore, #tpu.memory_space<semaphore_mem>> -> memref<1x!tpu.dma_semaphore, #tpu.memory_space<semaphore_mem>>
          %dma_wait3A_152 = tpu.memref_squeeze %dma_wait3A_151 : memref<1x!tpu.dma_semaphore, #tpu.memory_space<semaphore_mem>> -> memref<!tpu.dma_semaphore, #tpu.memory_space<semaphore_mem>>
          %dma_wait3A_153 = arith.constant 0 : i32
          %dma_wait3A_154 = tpu.memref_slice %arg4[%mul3A_145, %dma_wait3A_153] : memref<6272x128xf32, #tpu.memory_space<hbm>> -> memref<128x128xf32, #tpu.memory_space<hbm>>
          %dma_wait3A_155 = arith.constant 0 : i32
          %dma_wait3A_156 = arith.constant 0 : i32
          %dma_wait3A_157 = tpu.memref_slice %run_scoped3A_18[%rem3A_143, %dma_wait3A_155, %dma_wait3A_156] : memref<2x128x128xf32, #tpu.memory_space<vmem>> -> memref<1x128x128xf32, #tpu.memory_space<vmem>>
          %dma_wait3A_158 = tpu.memref_squeeze %dma_wait3A_157 : memref<1x128x128xf32, #tpu.memory_space<vmem>> -> memref<128x128xf32, #tpu.memory_space<vmem>>
          tpu.wait_dma2 semaphore(%dma_wait3A_152 : memref<!tpu.dma_semaphore, #tpu.memory_space<semaphore_mem>>) src(%dma_wait3A_158 : memref<128x128xf32, #tpu.memory_space<vmem>>) dst(%dma_wait3A_154 : memref<128x128xf32, #tpu.memory_space<hbm>>)
          "tpu.trace_stop"() : () -> ()
        } else {
        }
      } else {
      }
      tpu.yield
    }) : () -> ()
    return
  }
}

module attributes {stable_mosaic.version = 14 : i64} {
  func.func @_vq_tc_body(%arg0: i32, %arg1: memref<128x64xf32, #tpu.memory_space<vmem>>, %arg2: memref<64x8192xf32, #tpu.memory_space<vmem>>, %arg3: memref<1x1x128xi32, #tpu.memory_space<vmem>>, %arg4: memref<1x1xf32, #tpu.memory_space<vmem>>, %arg5: memref<1x8192xf32, #tpu.memory_space<vmem>>) attributes {dimension_semantics = [#tpu.dimension_semantics<arbitrary>], iteration_bounds = array<i64: 49>, scalar_prefetch = 0 : i64, scratch_operands = 1 : i64, tpu.core_type = #tpu.core_type<tc>, window_params = [{transform_indices = @transform_0, window_bounds = array<i64: 128, 64>}, {pipeline_mode = #tpu.pipeline_mode<synchronous>, transform_indices = @transform_1, window_bounds = array<i64: 64, 8192>}, {transform_indices = @transform_2, window_bounds = array<i64: 1, 1, 128>}, {pipeline_mode = #tpu.pipeline_mode<synchronous>, transform_indices = @transform_3, window_bounds = array<i64: 1, 1>}]} {
    %eq3A = arith.constant 0 : i32
    %eq3A_0 = arith.cmpi eq, %arg0, %eq3A : i32
    %convert_element_type3A = arith.extui %eq3A_0 : i1 to i32
    %cond3A = arith.constant 0 : i32
    %cond3A_1 = arith.cmpi ne, %convert_element_type3A, %cond3A : i32
    scf.if %cond3A_1 {
      %get3A_40 = arith.constant 0 : index
      %get3A_41 = arith.constant 0 : index
      %get3A_42 = vector.load %arg2[%get3A_40, %get3A_41] : memref<64x8192xf32, #tpu.memory_space<vmem>>, vector<64x8192xf32>
      %mul3A_43 = arith.mulf %get3A_42, %get3A_42 : vector<64x8192xf32>
      %reduce_sum3A_44 = arith.constant dense<0.000000e+00> : vector<8192xf32>
      %reduce_sum3A_45 = vector.multi_reduction <add>, %mul3A_43, %reduce_sum3A_44 [0] : vector<64x8192xf32> to vector<8192xf32>
      %broadcast_in_dim3A_46 = vector.shape_cast %reduce_sum3A_45 : vector<8192xf32> to vector<1x8192xf32>
      %swap3A_47 = arith.constant 0 : index
      %swap3A_48 = arith.constant 0 : index
      %swap3A_49 = vector.load %arg5[%swap3A_47, %swap3A_48] : memref<1x8192xf32, #tpu.memory_space<vmem>>, vector<1x8192xf32>
      tpu.vector_store %arg5[%swap3A_47, %swap3A_48], %broadcast_in_dim3A_46 {strides = array<i32>} : memref<1x8192xf32, #tpu.memory_space<vmem>>, vector<1x8192xf32>,
      %broadcast_in_dim3A_50 = arith.constant 0.000000e+00 : f32
      %broadcast_in_dim3A_51 = vector.broadcast %broadcast_in_dim3A_50 : f32 to vector<1x1xf32>
      %swap3A_52 = arith.constant 0 : index
      %swap3A_53 = arith.constant 0 : index
      %swap3A_54 = vector.load %arg4[%swap3A_52, %swap3A_53] : memref<1x1xf32, #tpu.memory_space<vmem>>, vector<1x1xf32>
      tpu.vector_store %arg4[%swap3A_52, %swap3A_53], %broadcast_in_dim3A_51 {strides = array<i32>} : memref<1x1xf32, #tpu.memory_space<vmem>>, vector<1x1xf32>,
    } else {
    }
    %get3A = arith.constant 0 : index
    %get3A_2 = arith.constant 0 : index
    %get3A_3 = vector.load %arg1[%get3A, %get3A_2] : memref<128x64xf32, #tpu.memory_space<vmem>>, vector<128x64xf32>
    %get3A_4 = arith.constant 0 : index
    %get3A_5 = arith.constant 0 : index
    %get3A_6 = vector.load %arg2[%get3A_4, %get3A_5] : memref<64x8192xf32, #tpu.memory_space<vmem>>, vector<64x8192xf32>
    %dot_general3A = arith.constant dense<0.000000e+00> : vector<128x8192xf32>
    %dot_general3A_7 = tpu.matmul %get3A_3, %get3A_6, %dot_general3A {dimension_numbers = #tpu.dot_dimension_numbers<[1], [0], [0], [1], [0, 0, 1, 1], [], []>, transpose_lhs_hint = false} : vector<128x64xf32>, vector<64x8192xf32>, vector<128x8192xf32> -> vector<128x8192xf32>
    %mul3A = arith.mulf %get3A_3, %get3A_3 : vector<128x64xf32>
    %reduce_sum3A = arith.constant dense<0.000000e+00> : vector<128xf32>
    %reduce_sum3A_8 = vector.multi_reduction <add>, %mul3A, %reduce_sum3A [1] : vector<128x64xf32> to vector<128xf32>
    %broadcast_in_dim3A = vector.shape_cast %reduce_sum3A_8 : vector<128xf32> to vector<128x1xf32>
    %get3A_9 = arith.constant 0 : index
    %get3A_10 = arith.constant 0 : index
    %get3A_11 = vector.load %arg5[%get3A_9, %get3A_10] : memref<1x8192xf32, #tpu.memory_space<vmem>>, vector<1x8192xf32>
    %add3A = vector.broadcast %broadcast_in_dim3A : vector<128x1xf32> to vector<128x8192xf32>
    %add3A_12 = vector.broadcast %get3A_11 : vector<1x8192xf32> to vector<128x8192xf32>
    %add3A_13 = arith.addf %add3A, %add3A_12 : vector<128x8192xf32>
    %mul3A_14 = arith.constant 2.000000e+00 : f32
    %mul3A_15 = vector.broadcast %mul3A_14 : f32 to vector<128x8192xf32>
    %mul3A_16 = arith.mulf %mul3A_15, %dot_general3A_7 : vector<128x8192xf32>
    %sub3A = arith.subf %add3A_13, %mul3A_16 : vector<128x8192xf32>
    %reduce_min3A = arith.constant dense<0x7F800000> : vector<128xf32>
    %reduce_min3A_17 = vector.multi_reduction <minimumf>, %sub3A, %reduce_min3A [1] : vector<128x8192xf32> to vector<128xf32>
    %broadcast_in_dim3A_18 = vector.shape_cast %reduce_min3A_17 : vector<128xf32> to vector<128x1xf32>
    %iota3A = tpu.iota {dimensions = array<i32: 1>} : vector<128x8192xi32>
    %eq3A_19 = vector.broadcast %broadcast_in_dim3A_18 : vector<128x1xf32> to vector<128x8192xf32>
    %eq3A_20 = arith.cmpf oeq, %sub3A, %eq3A_19 : vector<128x8192xf32>
    %jit3A = arith.constant 8192 : i32
    %broadcast_in_dim3A_21 = vector.broadcast %jit3A : i32 to vector<128x8192xi32>
    %select_n3A = arith.select %eq3A_20, %iota3A, %broadcast_in_dim3A_21 : vector<128x8192xi1>, vector<128x8192xi32>
    %reduce_min3A_22 = arith.constant dense<2147483647> : vector<128xi32>
    %reduce_min3A_23 = vector.multi_reduction <minsi>, %select_n3A, %reduce_min3A_22 [1] : vector<128x8192xi32> to vector<128xi32>
    %reshape3A = vector.shape_cast %reduce_min3A_23 : vector<128xi32> to vector<1x1x128xi32>
    %swap3A = arith.constant 0 : index
    %swap3A_24 = arith.constant 0 : index
    %swap3A_25 = arith.constant 0 : index
    %swap3A_26 = vector.load %arg3[%swap3A, %swap3A_24, %swap3A_25] : memref<1x1x128xi32, #tpu.memory_space<vmem>>, vector<1x1x128xi32>
    tpu.vector_store %arg3[%swap3A, %swap3A_24, %swap3A_25], %reshape3A {strides = array<i32>} : memref<1x1x128xi32, #tpu.memory_space<vmem>>, vector<1x1x128xi32>,
    %get3A_27 = arith.constant 0 : index
    %get3A_28 = arith.constant 0 : index
    %get3A_29 = vector.load %arg4[%get3A_27, %get3A_28] : memref<1x1xf32, #tpu.memory_space<vmem>>, vector<1x1xf32>
    %reduce_sum3A_30 = vector.shape_cast %broadcast_in_dim3A_18 : vector<128x1xf32> to vector<1x128x1xf32>
    %reduce_sum3A_31 = arith.constant dense<0.000000e+00> : vector<1xf32>
    %reduce_sum3A_32 = vector.multi_reduction <add>, %reduce_sum3A_30, %reduce_sum3A_31 [1, 2] : vector<1x128x1xf32> to vector<1xf32>
    %reduce_sum3A_33 = vector.shape_cast %reduce_sum3A_32 : vector<1xf32> to vector<1x1x1xf32>
    %reduce_sum3A_34 = vector.extract %reduce_sum3A_33[0, 0, 0] : f32 from vector<1x1x1xf32>
    %reshape3A_35 = vector.broadcast %reduce_sum3A_34 : f32 to vector<1x1xf32>
    %add3A_36 = arith.addf %get3A_29, %reshape3A_35 : vector<1x1xf32>
    %swap3A_37 = arith.constant 0 : index
    %swap3A_38 = arith.constant 0 : index
    %swap3A_39 = vector.load %arg4[%swap3A_37, %swap3A_38] : memref<1x1xf32, #tpu.memory_space<vmem>>, vector<1x1xf32>
    tpu.vector_store %arg4[%swap3A_37, %swap3A_38], %add3A_36 {strides = array<i32>} : memref<1x1xf32, #tpu.memory_space<vmem>>, vector<1x1xf32>,
    return
  }
  func.func @transform_0(%arg0: i32) -> (i32, i32) {
    %c0_i32 = arith.constant 0 : i32
    %c0_i32_0 = arith.constant 0 : i32
    return %arg0, %c0_i32 : i32, i32
  }
  func.func @transform_1(%arg0: i32) -> (i32, i32) {
    %c0_i32 = arith.constant 0 : i32
    %c0_i32_0 = arith.constant 0 : i32
    %c0_i32_1 = arith.constant 0 : i32
    return %c0_i32, %c0_i32_0 : i32, i32
  }
  func.func @transform_2(%arg0: i32) -> (i32, i32, i32) {
    %c0_i32 = arith.constant 0 : i32
    %c0_i32_0 = arith.constant 0 : i32
    %c0_i32_1 = arith.constant 0 : i32
    return %arg0, %c0_i32, %c0_i32_0 : i32, i32, i32
  }
  func.func @transform_3(%arg0: i32) -> (i32, i32) {
    %c0_i32 = arith.constant 0 : i32
    %c0_i32_0 = arith.constant 0 : i32
    %c0_i32_1 = arith.constant 0 : i32
    return %c0_i32, %c0_i32_0 : i32, i32
  }
}

module attributes {stable_mosaic.version = 14 : i64} {
  func.func @_dec_body(%arg0: i32, %arg1: memref<1x28x28x64xf32, #tpu.memory_space<vmem>>, %arg2: memref<16x64x64xf32, #tpu.memory_space<vmem>>, %arg3: memref<64xf32, #tpu.memory_space<vmem>>, %arg4: memref<16x64x32xf32, #tpu.memory_space<vmem>>, %arg5: memref<32xf32, #tpu.memory_space<vmem>>, %arg6: memref<2x2x3x2x2x32xf32, #tpu.memory_space<vmem>>, %arg7: memref<3xf32, #tpu.memory_space<vmem>>, %arg8: memref<1x3x224x224xf32, #tpu.memory_space<vmem>>, %arg9: memref<30x30x64xf32, #tpu.memory_space<vmem>>, %arg10: memref<58x58x64xf32, #tpu.memory_space<vmem>>, %arg11: memref<32x114x114xf32, #tpu.memory_space<vmem>>) attributes {dimension_semantics = [#tpu.dimension_semantics<arbitrary>], iteration_bounds = array<i64: 8>, scalar_prefetch = 0 : i64, scratch_operands = 3 : i64, tpu.core_type = #tpu.core_type<tc>, window_params = [{transform_indices = @transform_0, window_bounds = array<i64: 1, 28, 28, 64>}, {pipeline_mode = #tpu.pipeline_mode<synchronous>, transform_indices = @transform_1, window_bounds = array<i64: 16, 64, 64>}, {pipeline_mode = #tpu.pipeline_mode<synchronous>, transform_indices = @transform_2, window_bounds = array<i64: 64>}, {pipeline_mode = #tpu.pipeline_mode<synchronous>, transform_indices = @transform_3, window_bounds = array<i64: 16, 64, 32>}, {pipeline_mode = #tpu.pipeline_mode<synchronous>, transform_indices = @transform_4, window_bounds = array<i64: 32>}, {pipeline_mode = #tpu.pipeline_mode<synchronous>, transform_indices = @transform_5, window_bounds = array<i64: 2, 2, 3, 2, 2, 32>}, {pipeline_mode = #tpu.pipeline_mode<synchronous>, transform_indices = @transform_6, window_bounds = array<i64: 3>}, {transform_indices = @transform_7, window_bounds = array<i64: 1, 3, 224, 224>}]} {
    %broadcast_in_dim3A = arith.constant 0.000000e+00 : f32
    %broadcast_in_dim3A_0 = vector.broadcast %broadcast_in_dim3A : f32 to vector<30x30x64xf32>
    %swap3A = arith.constant 0 : index
    %swap3A_1 = arith.constant 0 : index
    %swap3A_2 = arith.constant 0 : index
    %swap3A_3 = vector.load %arg9[%swap3A, %swap3A_1, %swap3A_2] : memref<30x30x64xf32, #tpu.memory_space<vmem>>, vector<30x30x64xf32>
    tpu.vector_store %arg9[%swap3A, %swap3A_1, %swap3A_2], %broadcast_in_dim3A_0 {strides = array<i32>} : memref<30x30x64xf32, #tpu.memory_space<vmem>>, vector<30x30x64xf32>,
    %get3A = arith.constant 0 : index
    %get3A_4 = arith.constant 0 : index
    %get3A_5 = arith.constant 0 : index
    %get3A_6 = arith.constant 0 : index
    %get3A_7 = vector.load %arg1[%get3A, %get3A_4, %get3A_5, %get3A_6] : memref<1x28x28x64xf32, #tpu.memory_space<vmem>>, vector<1x28x28x64xf32>
    %get3A_8 = vector.shape_cast %get3A_7 : vector<1x28x28x64xf32> to vector<28x28x64xf32>
    %swap3A_9 = arith.constant 1 : index
    %swap3A_10 = arith.constant 1 : index
    %swap3A_11 = arith.constant 0 : index
    %swap3A_12 = vector.load %arg9[%swap3A_9, %swap3A_10, %swap3A_11] : memref<30x30x64xf32, #tpu.memory_space<vmem>>, vector<28x28x64xf32>
    tpu.vector_store %arg9[%swap3A_9, %swap3A_10, %swap3A_11], %get3A_8 {strides = array<i32>} : memref<30x30x64xf32, #tpu.memory_space<vmem>>, vector<28x28x64xf32>,
    %get3A_13 = arith.constant 0 : index
    %get3A_14 = vector.load %arg3[%get3A_13] : memref<64xf32, #tpu.memory_space<vmem>>, vector<64xf32>
    %broadcast_in_dim3A_15 = arith.constant 0.000000e+00 : f32
    %broadcast_in_dim3A_16 = vector.broadcast %broadcast_in_dim3A_15 : f32 to vector<784x64xf32>
    %get3A_17 = arith.constant 0 : index
    %get3A_18 = arith.constant 0 : index
    %get3A_19 = arith.constant 0 : index
    %get3A_20 = vector.load %arg9[%get3A_17, %get3A_18, %get3A_19] : memref<30x30x64xf32, #tpu.memory_space<vmem>>, vector<28x28x64xf32>
    %reshape3A = vector.shape_cast %get3A_20 : vector<28x28x64xf32> to vector<784x64xf32>
    %get3A_21 = arith.constant 0 : index
    %get3A_22 = arith.constant 0 : index
    %get3A_23 = arith.constant 0 : index
    %get3A_24 = vector.load %arg2[%get3A_21, %get3A_22, %get3A_23] : memref<16x64x64xf32, #tpu.memory_space<vmem>>, vector<1x64x64xf32>
    %get3A_25 = vector.shape_cast %get3A_24 : vector<1x64x64xf32> to vector<64x64xf32>
    %dot_general3A = arith.constant dense<0.000000e+00> : vector<784x64xf32>
    %dot_general3A_26 = tpu.matmul %reshape3A, %get3A_25, %dot_general3A {dimension_numbers = #tpu.dot_dimension_numbers<[1], [0], [0], [1], [0, 0, 1, 1], [], []>, transpose_lhs_hint = false} : vector<784x64xf32>, vector<64x64xf32>, vector<784x64xf32> -> vector<784x64xf32>
    %add3A = arith.addf %broadcast_in_dim3A_16, %dot_general3A_26 : vector<784x64xf32>
    %get3A_27 = arith.constant 0 : index
    %get3A_28 = arith.constant 1 : index
    %get3A_29 = arith.constant 0 : index
    %get3A_30 = vector.load %arg9[%get3A_27, %get3A_28, %get3A_29] : memref<30x30x64xf32, #tpu.memory_space<vmem>>, vector<28x28x64xf32>
    %reshape3A_31 = vector.shape_cast %get3A_30 : vector<28x28x64xf32> to vector<784x64xf32>
    %get3A_32 = arith.constant 1 : index
    %get3A_33 = arith.constant 0 : index
    %get3A_34 = arith.constant 0 : index
    %get3A_35 = vector.load %arg2[%get3A_32, %get3A_33, %get3A_34] : memref<16x64x64xf32, #tpu.memory_space<vmem>>, vector<1x64x64xf32>
    %get3A_36 = vector.shape_cast %get3A_35 : vector<1x64x64xf32> to vector<64x64xf32>
    %dot_general3A_37 = arith.constant dense<0.000000e+00> : vector<784x64xf32>
    %dot_general3A_38 = tpu.matmul %reshape3A_31, %get3A_36, %dot_general3A_37 {dimension_numbers = #tpu.dot_dimension_numbers<[1], [0], [0], [1], [0, 0, 1, 1], [], []>, transpose_lhs_hint = false} : vector<784x64xf32>, vector<64x64xf32>, vector<784x64xf32> -> vector<784x64xf32>
    %add3A_39 = arith.addf %add3A, %dot_general3A_38 : vector<784x64xf32>
    %get3A_40 = arith.constant 1 : index
    %get3A_41 = arith.constant 0 : index
    %get3A_42 = arith.constant 0 : index
    %get3A_43 = vector.load %arg9[%get3A_40, %get3A_41, %get3A_42] : memref<30x30x64xf32, #tpu.memory_space<vmem>>, vector<28x28x64xf32>
    %reshape3A_44 = vector.shape_cast %get3A_43 : vector<28x28x64xf32> to vector<784x64xf32>
    %get3A_45 = arith.constant 2 : index
    %get3A_46 = arith.constant 0 : index
    %get3A_47 = arith.constant 0 : index
    %get3A_48 = vector.load %arg2[%get3A_45, %get3A_46, %get3A_47] : memref<16x64x64xf32, #tpu.memory_space<vmem>>, vector<1x64x64xf32>
    %get3A_49 = vector.shape_cast %get3A_48 : vector<1x64x64xf32> to vector<64x64xf32>
    %dot_general3A_50 = arith.constant dense<0.000000e+00> : vector<784x64xf32>
    %dot_general3A_51 = tpu.matmul %reshape3A_44, %get3A_49, %dot_general3A_50 {dimension_numbers = #tpu.dot_dimension_numbers<[1], [0], [0], [1], [0, 0, 1, 1], [], []>, transpose_lhs_hint = false} : vector<784x64xf32>, vector<64x64xf32>, vector<784x64xf32> -> vector<784x64xf32>
    %add3A_52 = arith.addf %add3A_39, %dot_general3A_51 : vector<784x64xf32>
    %get3A_53 = arith.constant 1 : index
    %get3A_54 = arith.constant 1 : index
    %get3A_55 = arith.constant 0 : index
    %get3A_56 = vector.load %arg9[%get3A_53, %get3A_54, %get3A_55] : memref<30x30x64xf32, #tpu.memory_space<vmem>>, vector<28x28x64xf32>
    %reshape3A_57 = vector.shape_cast %get3A_56 : vector<28x28x64xf32> to vector<784x64xf32>
    %get3A_58 = arith.constant 3 : index
    %get3A_59 = arith.constant 0 : index
    %get3A_60 = arith.constant 0 : index
    %get3A_61 = vector.load %arg2[%get3A_58, %get3A_59, %get3A_60] : memref<16x64x64xf32, #tpu.memory_space<vmem>>, vector<1x64x64xf32>
    %get3A_62 = vector.shape_cast %get3A_61 : vector<1x64x64xf32> to vector<64x64xf32>
    %dot_general3A_63 = arith.constant dense<0.000000e+00> : vector<784x64xf32>
    %dot_general3A_64 = tpu.matmul %reshape3A_57, %get3A_62, %dot_general3A_63 {dimension_numbers = #tpu.dot_dimension_numbers<[1], [0], [0], [1], [0, 0, 1, 1], [], []>, transpose_lhs_hint = false} : vector<784x64xf32>, vector<64x64xf32>, vector<784x64xf32> -> vector<784x64xf32>
    %add3A_65 = arith.addf %add3A_52, %dot_general3A_64 : vector<784x64xf32>
    %broadcast_in_dim3A_66 = vector.shape_cast %get3A_14 : vector<64xf32> to vector<1x64xf32>
    %add3A_67 = vector.broadcast %broadcast_in_dim3A_66 : vector<1x64xf32> to vector<784x64xf32>
    %add3A_68 = arith.addf %add3A_65, %add3A_67 : vector<784x64xf32>
    %max3A = arith.constant 0.000000e+00 : f32
    %max3A_69 = vector.broadcast %max3A : f32 to vector<784x64xf32>
    %max3A_70 = arith.maximumf %add3A_68, %max3A_69 : vector<784x64xf32>
    %broadcast_in_dim3A_71 = arith.constant 0.000000e+00 : f32
    %broadcast_in_dim3A_72 = vector.broadcast %broadcast_in_dim3A_71 : f32 to vector<784x64xf32>
    %get3A_73 = arith.constant 0 : index
    %get3A_74 = arith.constant 1 : index
    %get3A_75 = arith.constant 0 : index
    %get3A_76 = vector.load %arg9[%get3A_73, %get3A_74, %get3A_75] : memref<30x30x64xf32, #tpu.memory_space<vmem>>, vector<28x28x64xf32>
    %reshape3A_77 = vector.shape_cast %get3A_76 : vector<28x28x64xf32> to vector<784x64xf32>
    %get3A_78 = arith.constant 4 : index
    %get3A_79 = arith.constant 0 : index
    %get3A_80 = arith.constant 0 : index
    %get3A_81 = vector.load %arg2[%get3A_78, %get3A_79, %get3A_80] : memref<16x64x64xf32, #tpu.memory_space<vmem>>, vector<1x64x64xf32>
    %get3A_82 = vector.shape_cast %get3A_81 : vector<1x64x64xf32> to vector<64x64xf32>
    %dot_general3A_83 = arith.constant dense<0.000000e+00> : vector<784x64xf32>
    %dot_general3A_84 = tpu.matmul %reshape3A_77, %get3A_82, %dot_general3A_83 {dimension_numbers = #tpu.dot_dimension_numbers<[1], [0], [0], [1], [0, 0, 1, 1], [], []>, transpose_lhs_hint = false} : vector<784x64xf32>, vector<64x64xf32>, vector<784x64xf32> -> vector<784x64xf32>
    %add3A_85 = arith.addf %broadcast_in_dim3A_72, %dot_general3A_84 : vector<784x64xf32>
    %get3A_86 = arith.constant 0 : index
    %get3A_87 = arith.constant 2 : index
    %get3A_88 = arith.constant 0 : index
    %get3A_89 = vector.load %arg9[%get3A_86, %get3A_87, %get3A_88] : memref<30x30x64xf32, #tpu.memory_space<vmem>>, vector<28x28x64xf32>
    %reshape3A_90 = vector.shape_cast %get3A_89 : vector<28x28x64xf32> to vector<784x64xf32>
    %get3A_91 = arith.constant 5 : index
    %get3A_92 = arith.constant 0 : index
    %get3A_93 = arith.constant 0 : index
    %get3A_94 = vector.load %arg2[%get3A_91, %get3A_92, %get3A_93] : memref<16x64x64xf32, #tpu.memory_space<vmem>>, vector<1x64x64xf32>
    %get3A_95 = vector.shape_cast %get3A_94 : vector<1x64x64xf32> to vector<64x64xf32>
    %dot_general3A_96 = arith.constant dense<0.000000e+00> : vector<784x64xf32>
    %dot_general3A_97 = tpu.matmul %reshape3A_90, %get3A_95, %dot_general3A_96 {dimension_numbers = #tpu.dot_dimension_numbers<[1], [0], [0], [1], [0, 0, 1, 1], [], []>, transpose_lhs_hint = false} : vector<784x64xf32>, vector<64x64xf32>, vector<784x64xf32> -> vector<784x64xf32>
    %add3A_98 = arith.addf %add3A_85, %dot_general3A_97 : vector<784x64xf32>
    %get3A_99 = arith.constant 1 : index
    %get3A_100 = arith.constant 1 : index
    %get3A_101 = arith.constant 0 : index
    %get3A_102 = vector.load %arg9[%get3A_99, %get3A_100, %get3A_101] : memref<30x30x64xf32, #tpu.memory_space<vmem>>, vector<28x28x64xf32>
    %reshape3A_103 = vector.shape_cast %get3A_102 : vector<28x28x64xf32> to vector<784x64xf32>
    %get3A_104 = arith.constant 6 : index
    %get3A_105 = arith.constant 0 : index
    %get3A_106 = arith.constant 0 : index
    %get3A_107 = vector.load %arg2[%get3A_104, %get3A_105, %get3A_106] : memref<16x64x64xf32, #tpu.memory_space<vmem>>, vector<1x64x64xf32>
    %get3A_108 = vector.shape_cast %get3A_107 : vector<1x64x64xf32> to vector<64x64xf32>
    %dot_general3A_109 = arith.constant dense<0.000000e+00> : vector<784x64xf32>
    %dot_general3A_110 = tpu.matmul %reshape3A_103, %get3A_108, %dot_general3A_109 {dimension_numbers = #tpu.dot_dimension_numbers<[1], [0], [0], [1], [0, 0, 1, 1], [], []>, transpose_lhs_hint = false} : vector<784x64xf32>, vector<64x64xf32>, vector<784x64xf32> -> vector<784x64xf32>
    %add3A_111 = arith.addf %add3A_98, %dot_general3A_110 : vector<784x64xf32>
    %get3A_112 = arith.constant 1 : index
    %get3A_113 = arith.constant 2 : index
    %get3A_114 = arith.constant 0 : index
    %get3A_115 = vector.load %arg9[%get3A_112, %get3A_113, %get3A_114] : memref<30x30x64xf32, #tpu.memory_space<vmem>>, vector<28x28x64xf32>
    %reshape3A_116 = vector.shape_cast %get3A_115 : vector<28x28x64xf32> to vector<784x64xf32>
    %get3A_117 = arith.constant 7 : index
    %get3A_118 = arith.constant 0 : index
    %get3A_119 = arith.constant 0 : index
    %get3A_120 = vector.load %arg2[%get3A_117, %get3A_118, %get3A_119] : memref<16x64x64xf32, #tpu.memory_space<vmem>>, vector<1x64x64xf32>
    %get3A_121 = vector.shape_cast %get3A_120 : vector<1x64x64xf32> to vector<64x64xf32>
    %dot_general3A_122 = arith.constant dense<0.000000e+00> : vector<784x64xf32>
    %dot_general3A_123 = tpu.matmul %reshape3A_116, %get3A_121, %dot_general3A_122 {dimension_numbers = #tpu.dot_dimension_numbers<[1], [0], [0], [1], [0, 0, 1, 1], [], []>, transpose_lhs_hint = false} : vector<784x64xf32>, vector<64x64xf32>, vector<784x64xf32> -> vector<784x64xf32>
    %add3A_124 = arith.addf %add3A_111, %dot_general3A_123 : vector<784x64xf32>
    %broadcast_in_dim3A_125 = vector.shape_cast %get3A_14 : vector<64xf32> to vector<1x64xf32>
    %add3A_126 = vector.broadcast %broadcast_in_dim3A_125 : vector<1x64xf32> to vector<784x64xf32>
    %add3A_127 = arith.addf %add3A_124, %add3A_126 : vector<784x64xf32>
    %max3A_128 = arith.constant 0.000000e+00 : f32
    %max3A_129 = vector.broadcast %max3A_128 : f32 to vector<784x64xf32>
    %max3A_130 = arith.maximumf %add3A_127, %max3A_129 : vector<784x64xf32>
    %broadcast_in_dim3A_131 = arith.constant 0.000000e+00 : f32
    %broadcast_in_dim3A_132 = vector.broadcast %broadcast_in_dim3A_131 : f32 to vector<784x64xf32>
    %get3A_133 = arith.constant 1 : index
    %get3A_134 = arith.constant 0 : index
    %get3A_135 = arith.constant 0 : index
    %get3A_136 = vector.load %arg9[%get3A_133, %get3A_134, %get3A_135] : memref<30x30x64xf32, #tpu.memory_space<vmem>>, vector<28x28x64xf32>
    %reshape3A_137 = vector.shape_cast %get3A_136 : vector<28x28x64xf32> to vector<784x64xf32>
    %get3A_138 = arith.constant 8 : index
    %get3A_139 = arith.constant 0 : index
    %get3A_140 = arith.constant 0 : index
    %get3A_141 = vector.load %arg2[%get3A_138, %get3A_139, %get3A_140] : memref<16x64x64xf32, #tpu.memory_space<vmem>>, vector<1x64x64xf32>
    %get3A_142 = vector.shape_cast %get3A_141 : vector<1x64x64xf32> to vector<64x64xf32>
    %dot_general3A_143 = arith.constant dense<0.000000e+00> : vector<784x64xf32>
    %dot_general3A_144 = tpu.matmul %reshape3A_137, %get3A_142, %dot_general3A_143 {dimension_numbers = #tpu.dot_dimension_numbers<[1], [0], [0], [1], [0, 0, 1, 1], [], []>, transpose_lhs_hint = false} : vector<784x64xf32>, vector<64x64xf32>, vector<784x64xf32> -> vector<784x64xf32>
    %add3A_145 = arith.addf %broadcast_in_dim3A_132, %dot_general3A_144 : vector<784x64xf32>
    %get3A_146 = arith.constant 1 : index
    %get3A_147 = arith.constant 1 : index
    %get3A_148 = arith.constant 0 : index
    %get3A_149 = vector.load %arg9[%get3A_146, %get3A_147, %get3A_148] : memref<30x30x64xf32, #tpu.memory_space<vmem>>, vector<28x28x64xf32>
    %reshape3A_150 = vector.shape_cast %get3A_149 : vector<28x28x64xf32> to vector<784x64xf32>
    %get3A_151 = arith.constant 9 : index
    %get3A_152 = arith.constant 0 : index
    %get3A_153 = arith.constant 0 : index
    %get3A_154 = vector.load %arg2[%get3A_151, %get3A_152, %get3A_153] : memref<16x64x64xf32, #tpu.memory_space<vmem>>, vector<1x64x64xf32>
    %get3A_155 = vector.shape_cast %get3A_154 : vector<1x64x64xf32> to vector<64x64xf32>
    %dot_general3A_156 = arith.constant dense<0.000000e+00> : vector<784x64xf32>
    %dot_general3A_157 = tpu.matmul %reshape3A_150, %get3A_155, %dot_general3A_156 {dimension_numbers = #tpu.dot_dimension_numbers<[1], [0], [0], [1], [0, 0, 1, 1], [], []>, transpose_lhs_hint = false} : vector<784x64xf32>, vector<64x64xf32>, vector<784x64xf32> -> vector<784x64xf32>
    %add3A_158 = arith.addf %add3A_145, %dot_general3A_157 : vector<784x64xf32>
    %get3A_159 = arith.constant 2 : index
    %get3A_160 = arith.constant 0 : index
    %get3A_161 = arith.constant 0 : index
    %get3A_162 = vector.load %arg9[%get3A_159, %get3A_160, %get3A_161] : memref<30x30x64xf32, #tpu.memory_space<vmem>>, vector<28x28x64xf32>
    %reshape3A_163 = vector.shape_cast %get3A_162 : vector<28x28x64xf32> to vector<784x64xf32>
    %get3A_164 = arith.constant 10 : index
    %get3A_165 = arith.constant 0 : index
    %get3A_166 = arith.constant 0 : index
    %get3A_167 = vector.load %arg2[%get3A_164, %get3A_165, %get3A_166] : memref<16x64x64xf32, #tpu.memory_space<vmem>>, vector<1x64x64xf32>
    %get3A_168 = vector.shape_cast %get3A_167 : vector<1x64x64xf32> to vector<64x64xf32>
    %dot_general3A_169 = arith.constant dense<0.000000e+00> : vector<784x64xf32>
    %dot_general3A_170 = tpu.matmul %reshape3A_163, %get3A_168, %dot_general3A_169 {dimension_numbers = #tpu.dot_dimension_numbers<[1], [0], [0], [1], [0, 0, 1, 1], [], []>, transpose_lhs_hint = false} : vector<784x64xf32>, vector<64x64xf32>, vector<784x64xf32> -> vector<784x64xf32>
    %add3A_171 = arith.addf %add3A_158, %dot_general3A_170 : vector<784x64xf32>
    %get3A_172 = arith.constant 2 : index
    %get3A_173 = arith.constant 1 : index
    %get3A_174 = arith.constant 0 : index
    %get3A_175 = vector.load %arg9[%get3A_172, %get3A_173, %get3A_174] : memref<30x30x64xf32, #tpu.memory_space<vmem>>, vector<28x28x64xf32>
    %reshape3A_176 = vector.shape_cast %get3A_175 : vector<28x28x64xf32> to vector<784x64xf32>
    %get3A_177 = arith.constant 11 : index
    %get3A_178 = arith.constant 0 : index
    %get3A_179 = arith.constant 0 : index
    %get3A_180 = vector.load %arg2[%get3A_177, %get3A_178, %get3A_179] : memref<16x64x64xf32, #tpu.memory_space<vmem>>, vector<1x64x64xf32>
    %get3A_181 = vector.shape_cast %get3A_180 : vector<1x64x64xf32> to vector<64x64xf32>
    %dot_general3A_182 = arith.constant dense<0.000000e+00> : vector<784x64xf32>
    %dot_general3A_183 = tpu.matmul %reshape3A_176, %get3A_181, %dot_general3A_182 {dimension_numbers = #tpu.dot_dimension_numbers<[1], [0], [0], [1], [0, 0, 1, 1], [], []>, transpose_lhs_hint = false} : vector<784x64xf32>, vector<64x64xf32>, vector<784x64xf32> -> vector<784x64xf32>
    %add3A_184 = arith.addf %add3A_171, %dot_general3A_183 : vector<784x64xf32>
    %broadcast_in_dim3A_185 = vector.shape_cast %get3A_14 : vector<64xf32> to vector<1x64xf32>
    %add3A_186 = vector.broadcast %broadcast_in_dim3A_185 : vector<1x64xf32> to vector<784x64xf32>
    %add3A_187 = arith.addf %add3A_184, %add3A_186 : vector<784x64xf32>
    %max3A_188 = arith.constant 0.000000e+00 : f32
    %max3A_189 = vector.broadcast %max3A_188 : f32 to vector<784x64xf32>
    %max3A_190 = arith.maximumf %add3A_187, %max3A_189 : vector<784x64xf32>
    %broadcast_in_dim3A_191 = arith.constant 0.000000e+00 : f32
    %broadcast_in_dim3A_192 = vector.broadcast %broadcast_in_dim3A_191 : f32 to vector<784x64xf32>
    %get3A_193 = arith.constant 1 : index
    %get3A_194 = arith.constant 1 : index
    %get3A_195 = arith.constant 0 : index
    %get3A_196 = vector.load %arg9[%get3A_193, %get3A_194, %get3A_195] : memref<30x30x64xf32, #tpu.memory_space<vmem>>, vector<28x28x64xf32>
    %reshape3A_197 = vector.shape_cast %get3A_196 : vector<28x28x64xf32> to vector<784x64xf32>
    %get3A_198 = arith.constant 12 : index
    %get3A_199 = arith.constant 0 : index
    %get3A_200 = arith.constant 0 : index
    %get3A_201 = vector.load %arg2[%get3A_198, %get3A_199, %get3A_200] : memref<16x64x64xf32, #tpu.memory_space<vmem>>, vector<1x64x64xf32>
    %get3A_202 = vector.shape_cast %get3A_201 : vector<1x64x64xf32> to vector<64x64xf32>
    %dot_general3A_203 = arith.constant dense<0.000000e+00> : vector<784x64xf32>
    %dot_general3A_204 = tpu.matmul %reshape3A_197, %get3A_202, %dot_general3A_203 {dimension_numbers = #tpu.dot_dimension_numbers<[1], [0], [0], [1], [0, 0, 1, 1], [], []>, transpose_lhs_hint = false} : vector<784x64xf32>, vector<64x64xf32>, vector<784x64xf32> -> vector<784x64xf32>
    %add3A_205 = arith.addf %broadcast_in_dim3A_192, %dot_general3A_204 : vector<784x64xf32>
    %get3A_206 = arith.constant 1 : index
    %get3A_207 = arith.constant 2 : index
    %get3A_208 = arith.constant 0 : index
    %get3A_209 = vector.load %arg9[%get3A_206, %get3A_207, %get3A_208] : memref<30x30x64xf32, #tpu.memory_space<vmem>>, vector<28x28x64xf32>
    %reshape3A_210 = vector.shape_cast %get3A_209 : vector<28x28x64xf32> to vector<784x64xf32>
    %get3A_211 = arith.constant 13 : index
    %get3A_212 = arith.constant 0 : index
    %get3A_213 = arith.constant 0 : index
    %get3A_214 = vector.load %arg2[%get3A_211, %get3A_212, %get3A_213] : memref<16x64x64xf32, #tpu.memory_space<vmem>>, vector<1x64x64xf32>
    %get3A_215 = vector.shape_cast %get3A_214 : vector<1x64x64xf32> to vector<64x64xf32>
    %dot_general3A_216 = arith.constant dense<0.000000e+00> : vector<784x64xf32>
    %dot_general3A_217 = tpu.matmul %reshape3A_210, %get3A_215, %dot_general3A_216 {dimension_numbers = #tpu.dot_dimension_numbers<[1], [0], [0], [1], [0, 0, 1, 1], [], []>, transpose_lhs_hint = false} : vector<784x64xf32>, vector<64x64xf32>, vector<784x64xf32> -> vector<784x64xf32>
    %add3A_218 = arith.addf %add3A_205, %dot_general3A_217 : vector<784x64xf32>
    %get3A_219 = arith.constant 2 : index
    %get3A_220 = arith.constant 1 : index
    %get3A_221 = arith.constant 0 : index
    %get3A_222 = vector.load %arg9[%get3A_219, %get3A_220, %get3A_221] : memref<30x30x64xf32, #tpu.memory_space<vmem>>, vector<28x28x64xf32>
    %reshape3A_223 = vector.shape_cast %get3A_222 : vector<28x28x64xf32> to vector<784x64xf32>
    %get3A_224 = arith.constant 14 : index
    %get3A_225 = arith.constant 0 : index
    %get3A_226 = arith.constant 0 : index
    %get3A_227 = vector.load %arg2[%get3A_224, %get3A_225, %get3A_226] : memref<16x64x64xf32, #tpu.memory_space<vmem>>, vector<1x64x64xf32>
    %get3A_228 = vector.shape_cast %get3A_227 : vector<1x64x64xf32> to vector<64x64xf32>
    %dot_general3A_229 = arith.constant dense<0.000000e+00> : vector<784x64xf32>
    %dot_general3A_230 = tpu.matmul %reshape3A_223, %get3A_228, %dot_general3A_229 {dimension_numbers = #tpu.dot_dimension_numbers<[1], [0], [0], [1], [0, 0, 1, 1], [], []>, transpose_lhs_hint = false} : vector<784x64xf32>, vector<64x64xf32>, vector<784x64xf32> -> vector<784x64xf32>
    %add3A_231 = arith.addf %add3A_218, %dot_general3A_230 : vector<784x64xf32>
    %get3A_232 = arith.constant 2 : index
    %get3A_233 = arith.constant 2 : index
    %get3A_234 = arith.constant 0 : index
    %get3A_235 = vector.load %arg9[%get3A_232, %get3A_233, %get3A_234] : memref<30x30x64xf32, #tpu.memory_space<vmem>>, vector<28x28x64xf32>
    %reshape3A_236 = vector.shape_cast %get3A_235 : vector<28x28x64xf32> to vector<784x64xf32>
    %get3A_237 = arith.constant 15 : index
    %get3A_238 = arith.constant 0 : index
    %get3A_239 = arith.constant 0 : index
    %get3A_240 = vector.load %arg2[%get3A_237, %get3A_238, %get3A_239] : memref<16x64x64xf32, #tpu.memory_space<vmem>>, vector<1x64x64xf32>
    %get3A_241 = vector.shape_cast %get3A_240 : vector<1x64x64xf32> to vector<64x64xf32>
    %dot_general3A_242 = arith.constant dense<0.000000e+00> : vector<784x64xf32>
    %dot_general3A_243 = tpu.matmul %reshape3A_236, %get3A_241, %dot_general3A_242 {dimension_numbers = #tpu.dot_dimension_numbers<[1], [0], [0], [1], [0, 0, 1, 1], [], []>, transpose_lhs_hint = false} : vector<784x64xf32>, vector<64x64xf32>, vector<784x64xf32> -> vector<784x64xf32>
    %add3A_244 = arith.addf %add3A_231, %dot_general3A_243 : vector<784x64xf32>
    %broadcast_in_dim3A_245 = vector.shape_cast %get3A_14 : vector<64xf32> to vector<1x64xf32>
    %add3A_246 = vector.broadcast %broadcast_in_dim3A_245 : vector<1x64xf32> to vector<784x64xf32>
    %add3A_247 = arith.addf %add3A_244, %add3A_246 : vector<784x64xf32>
    %max3A_248 = arith.constant 0.000000e+00 : f32
    %max3A_249 = vector.broadcast %max3A_248 : f32 to vector<784x64xf32>
    %max3A_250 = arith.maximumf %add3A_247, %max3A_249 : vector<784x64xf32>
    %broadcast_in_dim3A_251 = arith.constant 0.000000e+00 : f32
    %broadcast_in_dim3A_252 = vector.broadcast %broadcast_in_dim3A_251 : f32 to vector<58x58x64xf32>
    %swap3A_253 = arith.constant 0 : index
    %swap3A_254 = arith.constant 0 : index
    %swap3A_255 = arith.constant 0 : index
    %swap3A_256 = vector.load %arg10[%swap3A_253, %swap3A_254, %swap3A_255] : memref<58x58x64xf32, #tpu.memory_space<vmem>>, vector<58x58x64xf32>
    tpu.vector_store %arg10[%swap3A_253, %swap3A_254, %swap3A_255], %broadcast_in_dim3A_252 {strides = array<i32>} : memref<58x58x64xf32, #tpu.memory_space<vmem>>, vector<58x58x64xf32>,
    %reshape3A_257 = vector.shape_cast %max3A_70 : vector<784x64xf32> to vector<28x28x64xf32>
    %reshape3A_258 = vector.shape_cast %max3A_130 : vector<784x64xf32> to vector<28x28x64xf32>
    %stack3A = vector.shape_cast %reshape3A_257 : vector<28x28x64xf32> to vector<28x28x1x64xf32>
    %stack3A_259 = vector.shape_cast %reshape3A_258 : vector<28x28x64xf32> to vector<28x28x1x64xf32>
    %stack3A_260 = tpu.concatenate %stack3A, %stack3A_259 in 2 : vector<28x28x1x64xf32>, vector<28x28x1x64xf32> -> vector<28x28x2x64xf32>
    %reshape3A_261 = vector.shape_cast %stack3A_260 : vector<28x28x2x64xf32> to vector<28x56x64xf32>
    %reshape3A_262 = vector.shape_cast %max3A_190 : vector<784x64xf32> to vector<28x28x64xf32>
    %reshape3A_263 = vector.shape_cast %max3A_250 : vector<784x64xf32> to vector<28x28x64xf32>
    %stack3A_264 = vector.shape_cast %reshape3A_262 : vector<28x28x64xf32> to vector<28x28x1x64xf32>
    %stack3A_265 = vector.shape_cast %reshape3A_263 : vector<28x28x64xf32> to vector<28x28x1x64xf32>
    %stack3A_266 = tpu.concatenate %stack3A_264, %stack3A_265 in 2 : vector<28x28x1x64xf32>, vector<28x28x1x64xf32> -> vector<28x28x2x64xf32>
    %reshape3A_267 = vector.shape_cast %stack3A_266 : vector<28x28x2x64xf32> to vector<28x56x64xf32>
    %stack3A_268 = vector.shape_cast %reshape3A_261 : vector<28x56x64xf32> to vector<28x1x56x64xf32>
    %stack3A_269 = vector.shape_cast %reshape3A_267 : vector<28x56x64xf32> to vector<28x1x56x64xf32>
    %stack3A_270 = tpu.concatenate %stack3A_268, %stack3A_269 in 1 : vector<28x1x56x64xf32>, vector<28x1x56x64xf32> -> vector<28x2x56x64xf32>
    %reshape3A_271 = vector.shape_cast %stack3A_270 : vector<28x2x56x64xf32> to vector<56x56x64xf32>
    %swap3A_272 = arith.constant 1 : index
    %swap3A_273 = arith.constant 1 : index
    %swap3A_274 = arith.constant 0 : index
    %swap3A_275 = vector.load %arg10[%swap3A_272, %swap3A_273, %swap3A_274] : memref<58x58x64xf32, #tpu.memory_space<vmem>>, vector<56x56x64xf32>
    tpu.vector_store %arg10[%swap3A_272, %swap3A_273, %swap3A_274], %reshape3A_271 {strides = array<i32>} : memref<58x58x64xf32, #tpu.memory_space<vmem>>, vector<56x56x64xf32>,
    %get3A_276 = arith.constant 0 : index
    %get3A_277 = vector.load %arg5[%get3A_276] : memref<32xf32, #tpu.memory_space<vmem>>, vector<32xf32>
    %broadcast_in_dim3A_278 = arith.constant 0.000000e+00 : f32
    %broadcast_in_dim3A_279 = vector.broadcast %broadcast_in_dim3A_278 : f32 to vector<3136x32xf32>
    %get3A_280 = arith.constant 0 : index
    %get3A_281 = arith.constant 0 : index
    %get3A_282 = arith.constant 0 : index
    %get3A_283 = vector.load %arg10[%get3A_280, %get3A_281, %get3A_282] : memref<58x58x64xf32, #tpu.memory_space<vmem>>, vector<56x56x64xf32>
    %reshape3A_284 = vector.shape_cast %get3A_283 : vector<56x56x64xf32> to vector<3136x64xf32>
    %get3A_285 = arith.constant 0 : index
    %get3A_286 = arith.constant 0 : index
    %get3A_287 = arith.constant 0 : index
    %get3A_288 = vector.load %arg4[%get3A_285, %get3A_286, %get3A_287] : memref<16x64x32xf32, #tpu.memory_space<vmem>>, vector<1x64x32xf32>
    %get3A_289 = vector.shape_cast %get3A_288 : vector<1x64x32xf32> to vector<64x32xf32>
    %dot_general3A_290 = arith.constant dense<0.000000e+00> : vector<3136x32xf32>
    %dot_general3A_291 = tpu.matmul %reshape3A_284, %get3A_289, %dot_general3A_290 {dimension_numbers = #tpu.dot_dimension_numbers<[1], [0], [0], [1], [0, 0, 1, 1], [], []>, transpose_lhs_hint = false} : vector<3136x64xf32>, vector<64x32xf32>, vector<3136x32xf32> -> vector<3136x32xf32>
    %add3A_292 = arith.addf %broadcast_in_dim3A_279, %dot_general3A_291 : vector<3136x32xf32>
    %get3A_293 = arith.constant 0 : index
    %get3A_294 = arith.constant 1 : index
    %get3A_295 = arith.constant 0 : index
    %get3A_296 = vector.load %arg10[%get3A_293, %get3A_294, %get3A_295] : memref<58x58x64xf32, #tpu.memory_space<vmem>>, vector<56x56x64xf32>
    %reshape3A_297 = vector.shape_cast %get3A_296 : vector<56x56x64xf32> to vector<3136x64xf32>
    %get3A_298 = arith.constant 1 : index
    %get3A_299 = arith.constant 0 : index
    %get3A_300 = arith.constant 0 : index
    %get3A_301 = vector.load %arg4[%get3A_298, %get3A_299, %get3A_300] : memref<16x64x32xf32, #tpu.memory_space<vmem>>, vector<1x64x32xf32>
    %get3A_302 = vector.shape_cast %get3A_301 : vector<1x64x32xf32> to vector<64x32xf32>
    %dot_general3A_303 = arith.constant dense<0.000000e+00> : vector<3136x32xf32>
    %dot_general3A_304 = tpu.matmul %reshape3A_297, %get3A_302, %dot_general3A_303 {dimension_numbers = #tpu.dot_dimension_numbers<[1], [0], [0], [1], [0, 0, 1, 1], [], []>, transpose_lhs_hint = false} : vector<3136x64xf32>, vector<64x32xf32>, vector<3136x32xf32> -> vector<3136x32xf32>
    %add3A_305 = arith.addf %add3A_292, %dot_general3A_304 : vector<3136x32xf32>
    %get3A_306 = arith.constant 1 : index
    %get3A_307 = arith.constant 0 : index
    %get3A_308 = arith.constant 0 : index
    %get3A_309 = vector.load %arg10[%get3A_306, %get3A_307, %get3A_308] : memref<58x58x64xf32, #tpu.memory_space<vmem>>, vector<56x56x64xf32>
    %reshape3A_310 = vector.shape_cast %get3A_309 : vector<56x56x64xf32> to vector<3136x64xf32>
    %get3A_311 = arith.constant 2 : index
    %get3A_312 = arith.constant 0 : index
    %get3A_313 = arith.constant 0 : index
    %get3A_314 = vector.load %arg4[%get3A_311, %get3A_312, %get3A_313] : memref<16x64x32xf32, #tpu.memory_space<vmem>>, vector<1x64x32xf32>
    %get3A_315 = vector.shape_cast %get3A_314 : vector<1x64x32xf32> to vector<64x32xf32>
    %dot_general3A_316 = arith.constant dense<0.000000e+00> : vector<3136x32xf32>
    %dot_general3A_317 = tpu.matmul %reshape3A_310, %get3A_315, %dot_general3A_316 {dimension_numbers = #tpu.dot_dimension_numbers<[1], [0], [0], [1], [0, 0, 1, 1], [], []>, transpose_lhs_hint = false} : vector<3136x64xf32>, vector<64x32xf32>, vector<3136x32xf32> -> vector<3136x32xf32>
    %add3A_318 = arith.addf %add3A_305, %dot_general3A_317 : vector<3136x32xf32>
    %get3A_319 = arith.constant 1 : index
    %get3A_320 = arith.constant 1 : index
    %get3A_321 = arith.constant 0 : index
    %get3A_322 = vector.load %arg10[%get3A_319, %get3A_320, %get3A_321] : memref<58x58x64xf32, #tpu.memory_space<vmem>>, vector<56x56x64xf32>
    %reshape3A_323 = vector.shape_cast %get3A_322 : vector<56x56x64xf32> to vector<3136x64xf32>
    %get3A_324 = arith.constant 3 : index
    %get3A_325 = arith.constant 0 : index
    %get3A_326 = arith.constant 0 : index
    %get3A_327 = vector.load %arg4[%get3A_324, %get3A_325, %get3A_326] : memref<16x64x32xf32, #tpu.memory_space<vmem>>, vector<1x64x32xf32>
    %get3A_328 = vector.shape_cast %get3A_327 : vector<1x64x32xf32> to vector<64x32xf32>
    %dot_general3A_329 = arith.constant dense<0.000000e+00> : vector<3136x32xf32>
    %dot_general3A_330 = tpu.matmul %reshape3A_323, %get3A_328, %dot_general3A_329 {dimension_numbers = #tpu.dot_dimension_numbers<[1], [0], [0], [1], [0, 0, 1, 1], [], []>, transpose_lhs_hint = false} : vector<3136x64xf32>, vector<64x32xf32>, vector<3136x32xf32> -> vector<3136x32xf32>
    %add3A_331 = arith.addf %add3A_318, %dot_general3A_330 : vector<3136x32xf32>
    %broadcast_in_dim3A_332 = vector.shape_cast %get3A_277 : vector<32xf32> to vector<1x32xf32>
    %add3A_333 = vector.broadcast %broadcast_in_dim3A_332 : vector<1x32xf32> to vector<3136x32xf32>
    %add3A_334 = arith.addf %add3A_331, %add3A_333 : vector<3136x32xf32>
    %max3A_335 = arith.constant 0.000000e+00 : f32
    %max3A_336 = vector.broadcast %max3A_335 : f32 to vector<3136x32xf32>
    %max3A_337 = arith.maximumf %add3A_334, %max3A_336 : vector<3136x32xf32>
    %broadcast_in_dim3A_338 = arith.constant 0.000000e+00 : f32
    %broadcast_in_dim3A_339 = vector.broadcast %broadcast_in_dim3A_338 : f32 to vector<3136x32xf32>
    %get3A_340 = arith.constant 0 : index
    %get3A_341 = arith.constant 1 : index
    %get3A_342 = arith.constant 0 : index
    %get3A_343 = vector.load %arg10[%get3A_340, %get3A_341, %get3A_342] : memref<58x58x64xf32, #tpu.memory_space<vmem>>, vector<56x56x64xf32>
    %reshape3A_344 = vector.shape_cast %get3A_343 : vector<56x56x64xf32> to vector<3136x64xf32>
    %get3A_345 = arith.constant 4 : index
    %get3A_346 = arith.constant 0 : index
    %get3A_347 = arith.constant 0 : index
    %get3A_348 = vector.load %arg4[%get3A_345, %get3A_346, %get3A_347] : memref<16x64x32xf32, #tpu.memory_space<vmem>>, vector<1x64x32xf32>
    %get3A_349 = vector.shape_cast %get3A_348 : vector<1x64x32xf32> to vector<64x32xf32>
    %dot_general3A_350 = arith.constant dense<0.000000e+00> : vector<3136x32xf32>
    %dot_general3A_351 = tpu.matmul %reshape3A_344, %get3A_349, %dot_general3A_350 {dimension_numbers = #tpu.dot_dimension_numbers<[1], [0], [0], [1], [0, 0, 1, 1], [], []>, transpose_lhs_hint = false} : vector<3136x64xf32>, vector<64x32xf32>, vector<3136x32xf32> -> vector<3136x32xf32>
    %add3A_352 = arith.addf %broadcast_in_dim3A_339, %dot_general3A_351 : vector<3136x32xf32>
    %get3A_353 = arith.constant 0 : index
    %get3A_354 = arith.constant 2 : index
    %get3A_355 = arith.constant 0 : index
    %get3A_356 = vector.load %arg10[%get3A_353, %get3A_354, %get3A_355] : memref<58x58x64xf32, #tpu.memory_space<vmem>>, vector<56x56x64xf32>
    %reshape3A_357 = vector.shape_cast %get3A_356 : vector<56x56x64xf32> to vector<3136x64xf32>
    %get3A_358 = arith.constant 5 : index
    %get3A_359 = arith.constant 0 : index
    %get3A_360 = arith.constant 0 : index
    %get3A_361 = vector.load %arg4[%get3A_358, %get3A_359, %get3A_360] : memref<16x64x32xf32, #tpu.memory_space<vmem>>, vector<1x64x32xf32>
    %get3A_362 = vector.shape_cast %get3A_361 : vector<1x64x32xf32> to vector<64x32xf32>
    %dot_general3A_363 = arith.constant dense<0.000000e+00> : vector<3136x32xf32>
    %dot_general3A_364 = tpu.matmul %reshape3A_357, %get3A_362, %dot_general3A_363 {dimension_numbers = #tpu.dot_dimension_numbers<[1], [0], [0], [1], [0, 0, 1, 1], [], []>, transpose_lhs_hint = false} : vector<3136x64xf32>, vector<64x32xf32>, vector<3136x32xf32> -> vector<3136x32xf32>
    %add3A_365 = arith.addf %add3A_352, %dot_general3A_364 : vector<3136x32xf32>
    %get3A_366 = arith.constant 1 : index
    %get3A_367 = arith.constant 1 : index
    %get3A_368 = arith.constant 0 : index
    %get3A_369 = vector.load %arg10[%get3A_366, %get3A_367, %get3A_368] : memref<58x58x64xf32, #tpu.memory_space<vmem>>, vector<56x56x64xf32>
    %reshape3A_370 = vector.shape_cast %get3A_369 : vector<56x56x64xf32> to vector<3136x64xf32>
    %get3A_371 = arith.constant 6 : index
    %get3A_372 = arith.constant 0 : index
    %get3A_373 = arith.constant 0 : index
    %get3A_374 = vector.load %arg4[%get3A_371, %get3A_372, %get3A_373] : memref<16x64x32xf32, #tpu.memory_space<vmem>>, vector<1x64x32xf32>
    %get3A_375 = vector.shape_cast %get3A_374 : vector<1x64x32xf32> to vector<64x32xf32>
    %dot_general3A_376 = arith.constant dense<0.000000e+00> : vector<3136x32xf32>
    %dot_general3A_377 = tpu.matmul %reshape3A_370, %get3A_375, %dot_general3A_376 {dimension_numbers = #tpu.dot_dimension_numbers<[1], [0], [0], [1], [0, 0, 1, 1], [], []>, transpose_lhs_hint = false} : vector<3136x64xf32>, vector<64x32xf32>, vector<3136x32xf32> -> vector<3136x32xf32>
    %add3A_378 = arith.addf %add3A_365, %dot_general3A_377 : vector<3136x32xf32>
    %get3A_379 = arith.constant 1 : index
    %get3A_380 = arith.constant 2 : index
    %get3A_381 = arith.constant 0 : index
    %get3A_382 = vector.load %arg10[%get3A_379, %get3A_380, %get3A_381] : memref<58x58x64xf32, #tpu.memory_space<vmem>>, vector<56x56x64xf32>
    %reshape3A_383 = vector.shape_cast %get3A_382 : vector<56x56x64xf32> to vector<3136x64xf32>
    %get3A_384 = arith.constant 7 : index
    %get3A_385 = arith.constant 0 : index
    %get3A_386 = arith.constant 0 : index
    %get3A_387 = vector.load %arg4[%get3A_384, %get3A_385, %get3A_386] : memref<16x64x32xf32, #tpu.memory_space<vmem>>, vector<1x64x32xf32>
    %get3A_388 = vector.shape_cast %get3A_387 : vector<1x64x32xf32> to vector<64x32xf32>
    %dot_general3A_389 = arith.constant dense<0.000000e+00> : vector<3136x32xf32>
    %dot_general3A_390 = tpu.matmul %reshape3A_383, %get3A_388, %dot_general3A_389 {dimension_numbers = #tpu.dot_dimension_numbers<[1], [0], [0], [1], [0, 0, 1, 1], [], []>, transpose_lhs_hint = false} : vector<3136x64xf32>, vector<64x32xf32>, vector<3136x32xf32> -> vector<3136x32xf32>
    %add3A_391 = arith.addf %add3A_378, %dot_general3A_390 : vector<3136x32xf32>
    %broadcast_in_dim3A_392 = vector.shape_cast %get3A_277 : vector<32xf32> to vector<1x32xf32>
    %add3A_393 = vector.broadcast %broadcast_in_dim3A_392 : vector<1x32xf32> to vector<3136x32xf32>
    %add3A_394 = arith.addf %add3A_391, %add3A_393 : vector<3136x32xf32>
    %max3A_395 = arith.constant 0.000000e+00 : f32
    %max3A_396 = vector.broadcast %max3A_395 : f32 to vector<3136x32xf32>
    %max3A_397 = arith.maximumf %add3A_394, %max3A_396 : vector<3136x32xf32>
    %broadcast_in_dim3A_398 = arith.constant 0.000000e+00 : f32
    %broadcast_in_dim3A_399 = vector.broadcast %broadcast_in_dim3A_398 : f32 to vector<3136x32xf32>
    %get3A_400 = arith.constant 1 : index
    %get3A_401 = arith.constant 0 : index
    %get3A_402 = arith.constant 0 : index
    %get3A_403 = vector.load %arg10[%get3A_400, %get3A_401, %get3A_402] : memref<58x58x64xf32, #tpu.memory_space<vmem>>, vector<56x56x64xf32>
    %reshape3A_404 = vector.shape_cast %get3A_403 : vector<56x56x64xf32> to vector<3136x64xf32>
    %get3A_405 = arith.constant 8 : index
    %get3A_406 = arith.constant 0 : index
    %get3A_407 = arith.constant 0 : index
    %get3A_408 = vector.load %arg4[%get3A_405, %get3A_406, %get3A_407] : memref<16x64x32xf32, #tpu.memory_space<vmem>>, vector<1x64x32xf32>
    %get3A_409 = vector.shape_cast %get3A_408 : vector<1x64x32xf32> to vector<64x32xf32>
    %dot_general3A_410 = arith.constant dense<0.000000e+00> : vector<3136x32xf32>
    %dot_general3A_411 = tpu.matmul %reshape3A_404, %get3A_409, %dot_general3A_410 {dimension_numbers = #tpu.dot_dimension_numbers<[1], [0], [0], [1], [0, 0, 1, 1], [], []>, transpose_lhs_hint = false} : vector<3136x64xf32>, vector<64x32xf32>, vector<3136x32xf32> -> vector<3136x32xf32>
    %add3A_412 = arith.addf %broadcast_in_dim3A_399, %dot_general3A_411 : vector<3136x32xf32>
    %get3A_413 = arith.constant 1 : index
    %get3A_414 = arith.constant 1 : index
    %get3A_415 = arith.constant 0 : index
    %get3A_416 = vector.load %arg10[%get3A_413, %get3A_414, %get3A_415] : memref<58x58x64xf32, #tpu.memory_space<vmem>>, vector<56x56x64xf32>
    %reshape3A_417 = vector.shape_cast %get3A_416 : vector<56x56x64xf32> to vector<3136x64xf32>
    %get3A_418 = arith.constant 9 : index
    %get3A_419 = arith.constant 0 : index
    %get3A_420 = arith.constant 0 : index
    %get3A_421 = vector.load %arg4[%get3A_418, %get3A_419, %get3A_420] : memref<16x64x32xf32, #tpu.memory_space<vmem>>, vector<1x64x32xf32>
    %get3A_422 = vector.shape_cast %get3A_421 : vector<1x64x32xf32> to vector<64x32xf32>
    %dot_general3A_423 = arith.constant dense<0.000000e+00> : vector<3136x32xf32>
    %dot_general3A_424 = tpu.matmul %reshape3A_417, %get3A_422, %dot_general3A_423 {dimension_numbers = #tpu.dot_dimension_numbers<[1], [0], [0], [1], [0, 0, 1, 1], [], []>, transpose_lhs_hint = false} : vector<3136x64xf32>, vector<64x32xf32>, vector<3136x32xf32> -> vector<3136x32xf32>
    %add3A_425 = arith.addf %add3A_412, %dot_general3A_424 : vector<3136x32xf32>
    %get3A_426 = arith.constant 2 : index
    %get3A_427 = arith.constant 0 : index
    %get3A_428 = arith.constant 0 : index
    %get3A_429 = vector.load %arg10[%get3A_426, %get3A_427, %get3A_428] : memref<58x58x64xf32, #tpu.memory_space<vmem>>, vector<56x56x64xf32>
    %reshape3A_430 = vector.shape_cast %get3A_429 : vector<56x56x64xf32> to vector<3136x64xf32>
    %get3A_431 = arith.constant 10 : index
    %get3A_432 = arith.constant 0 : index
    %get3A_433 = arith.constant 0 : index
    %get3A_434 = vector.load %arg4[%get3A_431, %get3A_432, %get3A_433] : memref<16x64x32xf32, #tpu.memory_space<vmem>>, vector<1x64x32xf32>
    %get3A_435 = vector.shape_cast %get3A_434 : vector<1x64x32xf32> to vector<64x32xf32>
    %dot_general3A_436 = arith.constant dense<0.000000e+00> : vector<3136x32xf32>
    %dot_general3A_437 = tpu.matmul %reshape3A_430, %get3A_435, %dot_general3A_436 {dimension_numbers = #tpu.dot_dimension_numbers<[1], [0], [0], [1], [0, 0, 1, 1], [], []>, transpose_lhs_hint = false} : vector<3136x64xf32>, vector<64x32xf32>, vector<3136x32xf32> -> vector<3136x32xf32>
    %add3A_438 = arith.addf %add3A_425, %dot_general3A_437 : vector<3136x32xf32>
    %get3A_439 = arith.constant 2 : index
    %get3A_440 = arith.constant 1 : index
    %get3A_441 = arith.constant 0 : index
    %get3A_442 = vector.load %arg10[%get3A_439, %get3A_440, %get3A_441] : memref<58x58x64xf32, #tpu.memory_space<vmem>>, vector<56x56x64xf32>
    %reshape3A_443 = vector.shape_cast %get3A_442 : vector<56x56x64xf32> to vector<3136x64xf32>
    %get3A_444 = arith.constant 11 : index
    %get3A_445 = arith.constant 0 : index
    %get3A_446 = arith.constant 0 : index
    %get3A_447 = vector.load %arg4[%get3A_444, %get3A_445, %get3A_446] : memref<16x64x32xf32, #tpu.memory_space<vmem>>, vector<1x64x32xf32>
    %get3A_448 = vector.shape_cast %get3A_447 : vector<1x64x32xf32> to vector<64x32xf32>
    %dot_general3A_449 = arith.constant dense<0.000000e+00> : vector<3136x32xf32>
    %dot_general3A_450 = tpu.matmul %reshape3A_443, %get3A_448, %dot_general3A_449 {dimension_numbers = #tpu.dot_dimension_numbers<[1], [0], [0], [1], [0, 0, 1, 1], [], []>, transpose_lhs_hint = false} : vector<3136x64xf32>, vector<64x32xf32>, vector<3136x32xf32> -> vector<3136x32xf32>
    %add3A_451 = arith.addf %add3A_438, %dot_general3A_450 : vector<3136x32xf32>
    %broadcast_in_dim3A_452 = vector.shape_cast %get3A_277 : vector<32xf32> to vector<1x32xf32>
    %add3A_453 = vector.broadcast %broadcast_in_dim3A_452 : vector<1x32xf32> to vector<3136x32xf32>
    %add3A_454 = arith.addf %add3A_451, %add3A_453 : vector<3136x32xf32>
    %max3A_455 = arith.constant 0.000000e+00 : f32
    %max3A_456 = vector.broadcast %max3A_455 : f32 to vector<3136x32xf32>
    %max3A_457 = arith.maximumf %add3A_454, %max3A_456 : vector<3136x32xf32>
    %broadcast_in_dim3A_458 = arith.constant 0.000000e+00 : f32
    %broadcast_in_dim3A_459 = vector.broadcast %broadcast_in_dim3A_458 : f32 to vector<3136x32xf32>
    %get3A_460 = arith.constant 1 : index
    %get3A_461 = arith.constant 1 : index
    %get3A_462 = arith.constant 0 : index
    %get3A_463 = vector.load %arg10[%get3A_460, %get3A_461, %get3A_462] : memref<58x58x64xf32, #tpu.memory_space<vmem>>, vector<56x56x64xf32>
    %reshape3A_464 = vector.shape_cast %get3A_463 : vector<56x56x64xf32> to vector<3136x64xf32>
    %get3A_465 = arith.constant 12 : index
    %get3A_466 = arith.constant 0 : index
    %get3A_467 = arith.constant 0 : index
    %get3A_468 = vector.load %arg4[%get3A_465, %get3A_466, %get3A_467] : memref<16x64x32xf32, #tpu.memory_space<vmem>>, vector<1x64x32xf32>
    %get3A_469 = vector.shape_cast %get3A_468 : vector<1x64x32xf32> to vector<64x32xf32>
    %dot_general3A_470 = arith.constant dense<0.000000e+00> : vector<3136x32xf32>
    %dot_general3A_471 = tpu.matmul %reshape3A_464, %get3A_469, %dot_general3A_470 {dimension_numbers = #tpu.dot_dimension_numbers<[1], [0], [0], [1], [0, 0, 1, 1], [], []>, transpose_lhs_hint = false} : vector<3136x64xf32>, vector<64x32xf32>, vector<3136x32xf32> -> vector<3136x32xf32>
    %add3A_472 = arith.addf %broadcast_in_dim3A_459, %dot_general3A_471 : vector<3136x32xf32>
    %get3A_473 = arith.constant 1 : index
    %get3A_474 = arith.constant 2 : index
    %get3A_475 = arith.constant 0 : index
    %get3A_476 = vector.load %arg10[%get3A_473, %get3A_474, %get3A_475] : memref<58x58x64xf32, #tpu.memory_space<vmem>>, vector<56x56x64xf32>
    %reshape3A_477 = vector.shape_cast %get3A_476 : vector<56x56x64xf32> to vector<3136x64xf32>
    %get3A_478 = arith.constant 13 : index
    %get3A_479 = arith.constant 0 : index
    %get3A_480 = arith.constant 0 : index
    %get3A_481 = vector.load %arg4[%get3A_478, %get3A_479, %get3A_480] : memref<16x64x32xf32, #tpu.memory_space<vmem>>, vector<1x64x32xf32>
    %get3A_482 = vector.shape_cast %get3A_481 : vector<1x64x32xf32> to vector<64x32xf32>
    %dot_general3A_483 = arith.constant dense<0.000000e+00> : vector<3136x32xf32>
    %dot_general3A_484 = tpu.matmul %reshape3A_477, %get3A_482, %dot_general3A_483 {dimension_numbers = #tpu.dot_dimension_numbers<[1], [0], [0], [1], [0, 0, 1, 1], [], []>, transpose_lhs_hint = false} : vector<3136x64xf32>, vector<64x32xf32>, vector<3136x32xf32> -> vector<3136x32xf32>
    %add3A_485 = arith.addf %add3A_472, %dot_general3A_484 : vector<3136x32xf32>
    %get3A_486 = arith.constant 2 : index
    %get3A_487 = arith.constant 1 : index
    %get3A_488 = arith.constant 0 : index
    %get3A_489 = vector.load %arg10[%get3A_486, %get3A_487, %get3A_488] : memref<58x58x64xf32, #tpu.memory_space<vmem>>, vector<56x56x64xf32>
    %reshape3A_490 = vector.shape_cast %get3A_489 : vector<56x56x64xf32> to vector<3136x64xf32>
    %get3A_491 = arith.constant 14 : index
    %get3A_492 = arith.constant 0 : index
    %get3A_493 = arith.constant 0 : index
    %get3A_494 = vector.load %arg4[%get3A_491, %get3A_492, %get3A_493] : memref<16x64x32xf32, #tpu.memory_space<vmem>>, vector<1x64x32xf32>
    %get3A_495 = vector.shape_cast %get3A_494 : vector<1x64x32xf32> to vector<64x32xf32>
    %dot_general3A_496 = arith.constant dense<0.000000e+00> : vector<3136x32xf32>
    %dot_general3A_497 = tpu.matmul %reshape3A_490, %get3A_495, %dot_general3A_496 {dimension_numbers = #tpu.dot_dimension_numbers<[1], [0], [0], [1], [0, 0, 1, 1], [], []>, transpose_lhs_hint = false} : vector<3136x64xf32>, vector<64x32xf32>, vector<3136x32xf32> -> vector<3136x32xf32>
    %add3A_498 = arith.addf %add3A_485, %dot_general3A_497 : vector<3136x32xf32>
    %get3A_499 = arith.constant 2 : index
    %get3A_500 = arith.constant 2 : index
    %get3A_501 = arith.constant 0 : index
    %get3A_502 = vector.load %arg10[%get3A_499, %get3A_500, %get3A_501] : memref<58x58x64xf32, #tpu.memory_space<vmem>>, vector<56x56x64xf32>
    %reshape3A_503 = vector.shape_cast %get3A_502 : vector<56x56x64xf32> to vector<3136x64xf32>
    %get3A_504 = arith.constant 15 : index
    %get3A_505 = arith.constant 0 : index
    %get3A_506 = arith.constant 0 : index
    %get3A_507 = vector.load %arg4[%get3A_504, %get3A_505, %get3A_506] : memref<16x64x32xf32, #tpu.memory_space<vmem>>, vector<1x64x32xf32>
    %get3A_508 = vector.shape_cast %get3A_507 : vector<1x64x32xf32> to vector<64x32xf32>
    %dot_general3A_509 = arith.constant dense<0.000000e+00> : vector<3136x32xf32>
    %dot_general3A_510 = tpu.matmul %reshape3A_503, %get3A_508, %dot_general3A_509 {dimension_numbers = #tpu.dot_dimension_numbers<[1], [0], [0], [1], [0, 0, 1, 1], [], []>, transpose_lhs_hint = false} : vector<3136x64xf32>, vector<64x32xf32>, vector<3136x32xf32> -> vector<3136x32xf32>
    %add3A_511 = arith.addf %add3A_498, %dot_general3A_510 : vector<3136x32xf32>
    %broadcast_in_dim3A_512 = vector.shape_cast %get3A_277 : vector<32xf32> to vector<1x32xf32>
    %add3A_513 = vector.broadcast %broadcast_in_dim3A_512 : vector<1x32xf32> to vector<3136x32xf32>
    %add3A_514 = arith.addf %add3A_511, %add3A_513 : vector<3136x32xf32>
    %max3A_515 = arith.constant 0.000000e+00 : f32
    %max3A_516 = vector.broadcast %max3A_515 : f32 to vector<3136x32xf32>
    %max3A_517 = arith.maximumf %add3A_514, %max3A_516 : vector<3136x32xf32>
    %reshape3A_518 = vector.shape_cast %max3A_337 : vector<3136x32xf32> to vector<56x56x32xf32>
    %reshape3A_519 = vector.shape_cast %max3A_397 : vector<3136x32xf32> to vector<56x56x32xf32>
    %stack3A_520 = vector.shape_cast %reshape3A_518 : vector<56x56x32xf32> to vector<56x56x1x32xf32>
    %stack3A_521 = vector.shape_cast %reshape3A_519 : vector<56x56x32xf32> to vector<56x56x1x32xf32>
    %stack3A_522 = tpu.concatenate %stack3A_520, %stack3A_521 in 2 : vector<56x56x1x32xf32>, vector<56x56x1x32xf32> -> vector<56x56x2x32xf32>
    %reshape3A_523 = vector.shape_cast %stack3A_522 : vector<56x56x2x32xf32> to vector<56x112x32xf32>
    %reshape3A_524 = vector.shape_cast %max3A_457 : vector<3136x32xf32> to vector<56x56x32xf32>
    %reshape3A_525 = vector.shape_cast %max3A_517 : vector<3136x32xf32> to vector<56x56x32xf32>
    %stack3A_526 = vector.shape_cast %reshape3A_524 : vector<56x56x32xf32> to vector<56x56x1x32xf32>
    %stack3A_527 = vector.shape_cast %reshape3A_525 : vector<56x56x32xf32> to vector<56x56x1x32xf32>
    %stack3A_528 = tpu.concatenate %stack3A_526, %stack3A_527 in 2 : vector<56x56x1x32xf32>, vector<56x56x1x32xf32> -> vector<56x56x2x32xf32>
    %reshape3A_529 = vector.shape_cast %stack3A_528 : vector<56x56x2x32xf32> to vector<56x112x32xf32>
    %stack3A_530 = vector.shape_cast %reshape3A_523 : vector<56x112x32xf32> to vector<56x1x112x32xf32>
    %stack3A_531 = vector.shape_cast %reshape3A_529 : vector<56x112x32xf32> to vector<56x1x112x32xf32>
    %stack3A_532 = tpu.concatenate %stack3A_530, %stack3A_531 in 1 : vector<56x1x112x32xf32>, vector<56x1x112x32xf32> -> vector<56x2x112x32xf32>
    %reshape3A_533 = vector.shape_cast %stack3A_532 : vector<56x2x112x32xf32> to vector<112x112x32xf32>
    %broadcast_in_dim3A_534 = arith.constant 0.000000e+00 : f32
    %broadcast_in_dim3A_535 = vector.broadcast %broadcast_in_dim3A_534 : f32 to vector<32x114x114xf32>
    %swap3A_536 = arith.constant 0 : index
    %swap3A_537 = arith.constant 0 : index
    %swap3A_538 = arith.constant 0 : index
    %swap3A_539 = vector.load %arg11[%swap3A_536, %swap3A_537, %swap3A_538] : memref<32x114x114xf32, #tpu.memory_space<vmem>>, vector<32x114x114xf32>
    tpu.vector_store %arg11[%swap3A_536, %swap3A_537, %swap3A_538], %broadcast_in_dim3A_535 {strides = array<i32>} : memref<32x114x114xf32, #tpu.memory_space<vmem>>, vector<32x114x114xf32>,
    %reshape3A_540 = vector.shape_cast %reshape3A_533 : vector<112x112x32xf32> to vector<12544x32xf32>
    %transpose3A = tpu.transpose %reshape3A_540, [1, 0] : vector<12544x32xf32> -> vector<32x12544xf32>
    %reshape3A_541 = vector.shape_cast %transpose3A : vector<32x12544xf32> to vector<32x112x112xf32>
    %swap3A_542 = arith.constant 0 : index
    %swap3A_543 = arith.constant 1 : index
    %swap3A_544 = arith.constant 1 : index
    %swap3A_545 = vector.load %arg11[%swap3A_542, %swap3A_543, %swap3A_544] : memref<32x114x114xf32, #tpu.memory_space<vmem>>, vector<32x112x112xf32>
    tpu.vector_store %arg11[%swap3A_542, %swap3A_543, %swap3A_544], %reshape3A_541 {strides = array<i32>} : memref<32x114x114xf32, #tpu.memory_space<vmem>>, vector<32x112x112xf32>,
    %broadcast_in_dim3A_546 = arith.constant 0.000000e+00 : f32
    %broadcast_in_dim3A_547 = vector.broadcast %broadcast_in_dim3A_546 : f32 to vector<3x224x224xf32>
    %get3A_548 = arith.constant 0 : index
    %get3A_549 = arith.constant 0 : index
    %get3A_550 = arith.constant 0 : index
    %get3A_551 = vector.load %arg11[%get3A_548, %get3A_549, %get3A_550] : memref<32x114x114xf32, #tpu.memory_space<vmem>>, vector<1x1x1xf32>
    %get3A_552 = vector.extract %get3A_551[0, 0, 0] : f32 from vector<1x1x1xf32>
    %add3A_553 = vector.broadcast %get3A_552 : f32 to vector<3x224x224xf32>
    %add3A_554 = arith.addf %broadcast_in_dim3A_547, %add3A_553 : vector<3x224x224xf32>
    %swap3A_555 = arith.constant 0 : index
    %swap3A_556 = arith.constant 0 : index
    %swap3A_557 = arith.constant 0 : index
    %swap3A_558 = arith.constant 0 : index
    %swap3A_559 = vector.load %arg8[%swap3A_555, %swap3A_556, %swap3A_557, %swap3A_558] : memref<1x3x224x224xf32, #tpu.memory_space<vmem>>, vector<1x3x224x224xf32>
    %swap3A_560 = vector.shape_cast %swap3A_559 : vector<1x3x224x224xf32> to vector<3x224x224xf32>
    %swap3A_561 = vector.shape_cast %add3A_554 : vector<3x224x224xf32> to vector<1x3x224x224xf32>
    tpu.vector_store %arg8[%swap3A_555, %swap3A_556, %swap3A_557, %swap3A_558], %swap3A_561 {strides = array<i32>} : memref<1x3x224x224xf32, #tpu.memory_space<vmem>>, vector<1x3x224x224xf32>,
    return
  }
  func.func @transform_0(%arg0: i32) -> (i32, i32, i32, i32) {
    %c0_i32 = arith.constant 0 : i32
    %c0_i32_0 = arith.constant 0 : i32
    %c0_i32_1 = arith.constant 0 : i32
    %c0_i32_2 = arith.constant 0 : i32
    return %arg0, %c0_i32, %c0_i32_0, %c0_i32_1 : i32, i32, i32, i32
  }
  func.func @transform_1(%arg0: i32) -> (i32, i32, i32) {
    %c0_i32 = arith.constant 0 : i32
    %c0_i32_0 = arith.constant 0 : i32
    %c0_i32_1 = arith.constant 0 : i32
    %c0_i32_2 = arith.constant 0 : i32
    return %c0_i32, %c0_i32_0, %c0_i32_1 : i32, i32, i32
  }
  func.func @transform_2(%arg0: i32) -> i32 {
    %c0_i32 = arith.constant 0 : i32
    %c0_i32_0 = arith.constant 0 : i32
    return %c0_i32 : i32
  }
  func.func @transform_3(%arg0: i32) -> (i32, i32, i32) {
    %c0_i32 = arith.constant 0 : i32
    %c0_i32_0 = arith.constant 0 : i32
    %c0_i32_1 = arith.constant 0 : i32
    %c0_i32_2 = arith.constant 0 : i32
    return %c0_i32, %c0_i32_0, %c0_i32_1 : i32, i32, i32
  }
  func.func @transform_4(%arg0: i32) -> i32 {
    %c0_i32 = arith.constant 0 : i32
    %c0_i32_0 = arith.constant 0 : i32
    return %c0_i32 : i32
  }
  func.func @transform_5(%arg0: i32) -> (i32, i32, i32, i32, i32, i32) {
    %c0_i32 = arith.constant 0 : i32
    %c0_i32_0 = arith.constant 0 : i32
    %c0_i32_1 = arith.constant 0 : i32
    %c0_i32_2 = arith.constant 0 : i32
    %c0_i32_3 = arith.constant 0 : i32
    %c0_i32_4 = arith.constant 0 : i32
    %c0_i32_5 = arith.constant 0 : i32
    return %c0_i32, %c0_i32_0, %c0_i32_1, %c0_i32_2, %c0_i32_3, %c0_i32_4 : i32, i32, i32, i32, i32, i32
  }
  func.func @transform_6(%arg0: i32) -> i32 {
    %c0_i32 = arith.constant 0 : i32
    %c0_i32_0 = arith.constant 0 : i32
    return %c0_i32 : i32
  }
  func.func @transform_7(%arg0: i32) -> (i32, i32, i32, i32) {
    %c0_i32 = arith.constant 0 : i32
    %c0_i32_0 = arith.constant 0 : i32
    %c0_i32_1 = arith.constant 0 : i32
    %c0_i32_2 = arith.constant 0 : i32
    return %arg0, %c0_i32, %c0_i32_0, %c0_i32_1 : i32, i32, i32, i32
  }
}

</mosaic_0001>

<sc_bundles>
// kernel: kernel.5.cloned.1.call-start
scs
__scs_entry_jumppad:
0x0: {  	(pc) =	sbr.rel $0x88, $3  }
0x1: {  	(tag) =	ssettag $0x0;
	lr =	simm.s32 $0x1  }
0x2: {  	[smem:$0x3F93] =	sst lr;
	_ =	strace $0xD0000000  }
0x3: {  	_ = 	snop  }
0x4: {  	_ = 	snop  }
0x5: {  	_ = 	snop  }
0x6: {  	_ = 	snop  }
0x7: {  	_ = 	snop  }
__scs_overlays_trampoline_lowered:
0x8: {  	[smem:$0x3FA2] =	sst s0  }
0x9: {  	[smem:$0x3FA3] =	sst s1  }
0xa: {  	[smem:$0x3FA4] =	sst s2  }
0xb: {  	[smem:$0x3FA5] =	sst s3  }
0xc: {  	[smem:$0x3FA6] =	sst s4  }
0xd: {  	[smem:$0x3FA7] =	sst s5  }
0xe: {  	[smem:$0x3FA8] =	sst s6  }
0xf: {  	[smem:$0x3FA9] =	sst s7  }
0x10: {  	[smem:$0x3FAA] =	sst s8  }
0x11: {  	[smem:$0x3FAB] =	sst s9;
	s0 =	simm.s32 @!p0 $0x0  }
0x12: {  	s1 =	sld [smem:$0x3F91];
	s0 =	simm.s32 @p0 $0x1  }
0x13: {  	[smem:$0x3FAC] =	sst s0;
	s0 =	simm.s32 @!p1 $0x0  }
0x14: {  	s2 =	sld [smem:$0x3F90];
	s0 =	simm.s32 @p1 $0x1  }
0x15: {  	[smem:$0x3FAD] =	sst s0;
	s0 =	simm.s32 @!p2 $0x0  }
0x16: {  	s3 =	sld [smem:$0x3FDB];
	s0 =	simm.s32 @p2 $0x1  }
0x17: {  	s4 =	simm.s32 $0x1BF5;
	[smem:$0x3FAF] =	sst s0  }
0x18: {  	s0 =	sld [smem:$0x3F92];
	_ =	swait.ge [sflag:s4], $0x0  }
0x19: {  	s7 =	sld [smem:$0x3F93]  }
0x1a: {  	s8 =	sadd.s32 $0xFFFFE003, lr  }
0x1b: {  	s9 =	sadd.s32 $0xFFFFFEF7, lr;
	s5 =	simm.s32 $0xFFFFFFFF;
	p2 =	slt.u32 s8, $0xFFFFF086  }
0x1c: {  	p1 =	slt.u32 s9, $0xF7A;
	s5 =	simm.s32 @!p2 $0x0  }
0x1d: {  	s5 =	simm.s32 @p1 $0x1;
	p0 =	seq.s32 s7, s2  }
0x1e: {  	s7 =	smul.u32 @!p0 $0xF7A, s2;
	p2 =	seq.s32 @!p0 s5, $0x0  }
0x1f: {  	s9 =	smul.u32 $0xF7A, s1;
	s8 =	simm.s32 @!p0 $0x1BF5;
	p2 =	por !p2, p0  }
0x20: {  	[sflag:s8] =	ssyncset.s32 @!p0 $0xFFFFF086;
	s6 =	sadd.s32 @!p0 s3, s7;
	s7 =	simm.s32 @!p0 $0x108  }
0x21: {  	s3 =	sadd.s32 s3, s9;
	s6 =	sadd.s32 @!p0 $0x88, s6;
	s7 =	simm.s32 @p2 $0x1082  }
0x22: {  	[simem:s7], [sflag:s8] =	dma.local @!p0 [hbm:s6], $0xF7A  }
0x23: {  	s9 =	sor.u32 $0xD0000000, s2;
	s6 =	simm.s32 $0x108;
	_ =	swait.ge @!p0 [sflag:s8], $0x0  }
0x24: {  	s3 =	sadd.s32 $0x88, s3;
	s6 =	simm.s32 @!p1 $0x1082;
	[sflag:s4] =	ssyncset.s32 $0xFFFFF086  }
0x25: {  	[simem:s6], [sflag:s4] =	dma.local [hbm:s3], $0xF7A  }
0x26: {  	[smem:$0x3F93] =	sst s1;
	(tag) =	ssettag s2;
	_ =	strace s9  }
0x27: {  	s1 =	sld [smem:$0x3FA3]  }
0x28: {  	s2 =	sld [smem:$0x3FA4]  }
0x29: {  	s4 =	sld [smem:$0x3FA6]  }
0x2a: {  	p0 =	seq.s32 s5, $0x0;
	s5 =	sld [smem:$0x3FA7]  }
0x2b: {  	s6 =	sld [smem:$0x3FA8]  }
0x2c: {  	s7 =	sld [smem:$0x3FA9]  }
0x2d: {  	s3 =	simm.s32 $0x108;
	s8 =	sld [smem:$0x3FAA]  }
0x2e: {  	s3 =	simm.s32 @!p0 $0x1082;
	s9 =	sld [smem:$0x3FAB]  }
0x2f: {  	lr =	sadd.s32 s0, s3;
	s0 =	sld [smem:$0x3FA2]  }
0x30: {  	s3 =	sld [smem:$0x3FA5]  }
0x31: {  	[smem:$0x3FAE] =	sst s10  }
0x32: {  	s10 =	sld [smem:$0x3FAC];
	_ =	sdelay $0x3  }
0x33: {  	p0 =	seq.s32 s10, $0x1;
	s10 =	sld [smem:$0x3FAE];
	_ =	sdelay $0x3  }
0x34: {  	[smem:$0x3FAE] =	sst s10  }
0x35: {  	s10 =	sld [smem:$0x3FAD];
	_ =	sdelay $0x3  }
0x36: {  	p1 =	seq.s32 s10, $0x1;
	s10 =	sld [smem:$0x3FAE];
	_ =	sdelay $0x3  }
0x37: {  	[smem:$0x3FAE] =	sst s10  }
0x38: {  	s10 =	sld [smem:$0x3FAF]  }
0x39: {  	_ = 	snop;
	(pc) =	sbr.ind lr, $3  }
0x3a: {  	_ = 	snop  }
0x3b: {  	_ = 	snop  }
0x3c: {  	p2 =	seq.s32 s10, $0x1;
	s10 =	sld [smem:$0x3FAE]  }
0x3d: {  	_ =	shalt  }
0x3e: {  	_ =	shalt  }
0x3f: {  	_ =	shalt  }
0x40: {  	_ =	shalt  }
0x41: {  	_ =	shalt  }
0x42: {  	_ =	shalt  }
0x43: {  	_ =	shalt  }
0x44: {  	_ =	shalt  }
0x45: {  	_ =	shalt  }
0x46: {  	_ =	shalt  }
0x47: {  	_ =	shalt  }
0x48: {  	_ =	shalt  }
0x49: {  	_ =	shalt  }
0x4a: {  	_ =	shalt  }
0x4b: {  	_ =	shalt  }
0x4c: {  	_ =	shalt  }
0x4d: {  	_ =	shalt  }
0x4e: {  	_ =	shalt  }
0x4f: {  	_ =	shalt  }
0x50: {  	_ =	shalt  }
0x51: {  	_ =	shalt  }
0x52: {  	_ =	shalt  }
0x53: {  	_ =	shalt  }
0x54: {  	_ =	shalt  }
0x55: {  	_ =	shalt  }
0x56: {  	_ =	shalt  }
0x57: {  	_ =	shalt  }
0x58: {  	_ =	shalt  }
0x59: {  	_ =	shalt  }
0x5a: {  	_ =	shalt  }
0x5b: {  	_ =	shalt  }
0x5c: {  	_ =	shalt  }
0x5d: {  	_ =	shalt  }
0x5e: {  	_ =	shalt  }
0x5f: {  	_ =	shalt  }
0x60: {  	_ =	shalt  }
0x61: {  	_ =	shalt  }
0x62: {  	_ =	shalt  }
0x63: {  	_ =	shalt  }
0x64: {  	_ =	shalt  }
0x65: {  	_ =	shalt  }
0x66: {  	_ =	shalt  }
0x67: {  	_ =	shalt  }
0x68: {  	_ =	shalt  }
0x69: {  	_ =	shalt  }
0x6a: {  	_ =	shalt  }
0x6b: {  	_ =	shalt  }
0x6c: {  	_ =	shalt  }
0x6d: {  	_ =	shalt  }
0x6e: {  	_ =	shalt  }
0x6f: {  	_ =	shalt  }
0x70: {  	_ =	shalt  }
0x71: {  	_ =	shalt  }
0x72: {  	_ =	shalt  }
0x73: {  	_ =	shalt  }
0x74: {  	_ =	shalt  }
0x75: {  	_ =	shalt  }
0x76: {  	_ =	shalt  }
0x77: {  	_ =	shalt  }
0x78: {  	_ =	shalt  }
0x79: {  	_ =	shalt  }
0x7a: {  	_ =	shalt  }
0x7b: {  	_ =	shalt  }
0x7c: {  	_ =	shalt  }
0x7d: {  	_ =	shalt  }
0x7e: {  	_ =	shalt  }
0x7f: {  	_ =	shalt  }
0x80: {  	_ =	shalt  }
0x81: {  	_ =	shalt  }
0x82: {  	_ =	shalt  }
0x83: {  	_ =	shalt  }
0x84: {  	_ =	shalt  }
0x85: {  	_ =	shalt  }
0x86: {  	_ =	shalt  }
0x87: {  	_ =	shalt  }
.Lfunc_end0:
.L_simem_size_0:
called_computation_lowered:
.L_overlay_start_0:
0x88: {  	s2 =	sld [smem:$0x3FD9]  }
0x89: {  	s3 =	sld [smem:$0x3FFE];
	_ =	sdelay $0x1  }
0x8a: {  	s1 =	srdreg.scid  }
0x8b: {  	s0 =	sand.u32 $0x1, s1  }
0x8c: {  	s14 =	sshll.u32 s0, $0xA;
	s2 =	sadd.s32 s3, s2  }
0x8d: {  	s2 =	sadd.s32 s2, s14  }
0x8e: {  	[smem:$0x3FBA] =	sst s2  }
0x8f: {  	_ = 	snop  }
0x90: {  	s2 =	sld [smem:$0x3FD0];
	_ =	sdelay $0x2  }
0x91: {  	s15 =	simm.s32 $0xA;
	s4 =	simm.s32 $0x10  }
0x92: {  	[smem:s4], [sflag:s15] =	dma.local [hbm:s2], $0x1  }
0x93: {  	_ =	swait.eq [sflag:s15], $0x1  }
0x94: {  	[sflag:s15] =	ssyncset.done $0x0  }
0x95: {  	[sflag:s15] =	ssyncadd.s32 $0xFFFFFFFF  }
0x96: {  	s16 =	sld [smem:$0x10];
	(tm) =	ssettm $0x1  }
0x97: {  	s17 =	sld [smem:$0x3FFB];
	_ =	sdelay $0x3  }
0x98: {  	_ =	strace s17  }
0x99: {  	s3 =	sld [smem:$0x3FFC];
	_ =	sdelay $0x3  }
0x9a: {  	_ =	strace s3  }
0x9b: {  	s3 =	sld [smem:$0x3FFD];
	_ =	sdelay $0x3  }
0x9c: {  	_ =	strace s3  }
0x9d: {  	_ =	strace $0x8FFFFFFF  }
0x9e: {  	s18 =	sld [smem:$0x3FDB];
	_ =	sdelay $0x1  }
0x9f: {  	s19 =	simm.s32 $_scs_section_size  }
0xa0: {  	s5 =	simm.s32 $_size__tile_overlayer_lowered;
	s6 =	simm.s32 $_tile_overlayer_lowered  }
0xa1: {  	s22 =	simm.s32 $0x1BFF;
	s21 =	sshll.u32 s6, $0x1;
	s3 =	sadd.s32 s19, s18  }
0xa2: {  	s7 =	simm.s32 $0x0;
	s20 =	sshll.u32 s5, $0x1;
	s5 =	sadd.s32 s21, s3  }
0xa3: {  	[timem:s7], [sflag:s22] =	dma.local [hbm:s5], s20  }
0xa4: {  	_ =	swait.ge [sflag:s22], s20  }
0xa5: {  	s4 =	ssub.s32 $0x0, s20;
	[sflag:s22] =	ssyncset.done $0x0  }
0xa6: {  	[sflag:s22] =	ssyncadd.s32 s4;
	_ =	sdelay $0x1  }
0xa7: {  	s23 =	simm.s32 $0x1B8B  }
0xa8: {  	_ =	swait.ge [sflag:s23], $0x1  }
0xa9: {  	[sflag:s23] =	ssyncset.done $0x0  }
0xaa: {  	s25 =	simm.s32 $0x1B8E;
	s24 =	sld [smem:$0x3FFE];
	[sflag:s23] =	ssyncadd.s32 $0xFFFFFFFF  }
0xab: {  	s26 =	simm.s32 $execute0_lowered;
	[smem:$0x3FD2] =	sst s25  }
0xac: {  	s5 =	sshll.u32 s26, $0x1;
	_ =	strace $0x80000046;
	[dreg:$0x1] =	wrdreg $0xFFFFFFFF  }
0xad: {  	s28 =	simm.s32 $_size_execute0_lowered;
	s3 =	sadd.s32 s3, s5;
	[dreg:$0x0] =	wrdreg $0x0  }
0xae: {  	s5 =	sshll.u32 s28, $0x1;
	[dreg:$0x2] =	wrdreg s3  }
0xaf: {  	[dreg:$0x3] =	wrdreg s5  }
0xb0: {  	[dreg:$0x4] =	wrdreg $0xC0  }
0xb1: {  	_ =	task [dreg:s7], $0x5FFFF  }
0xb2: {  	[dreg:$0x1] =	wrdreg $0xFFFFFFFF  }
0xb3: {  	[dreg:$0x0] =	wrdreg $0x60  }
0xb4: {  	[dreg:$0x2] =	wrdreg s16  }
0xb5: {  	[dreg:$0x3] =	wrdreg s24  }
0xb6: {  	[dreg:$0x4] =	wrdreg $0x9  }
0xb7: {  	_ =	task.clear_ibuf [dreg:s7], $0x5FFFF;
	_ =	strace $0x90000046  }
0xb8: {  	s29 =	simm.s32 $0x9;
	_ =	strace $0x8000004F  }
0xb9: {  	_ =	swait.ge [sflag:s29], $0x1  }
0xba: {  	[sflag:s29] =	ssyncadd.s32 $0xFFFFFFFF  }
0xbb: {  	_ =	strace $0x9000004F  }
0xbc: {  	_ =	sfence  }
0xbd: {  	s30 =	sld [smem:$0x0];
	_ =	sdelay $0x2  }
0xbe: {  	s31 =	sshll.u32 s1, $0xD;
	s1 =	sshrl.u32 s1, $0x2  }
0xbf: {  	s3 =	sand.u32 $0x4000, s31;
	s1 =	sadd.s32 s1, s30  }
0xc0: {  	s0 =	sor.u32 s3, s0;
	s1 =	sshll.u32 s1, $0x11  }
0xc1: {  	s0 =	sor.u32 s1, s0  }
0xc2: {  	s0 =	sadd.s32 $0x8F2B, s0  }
0xc3: {  	[sflag:s0] =	ssyncadd.remote.s32 $0x1  }
0xc4: {  	_ =	sfence.sel $0xFFFF  }
0xc5: {  	[dreg:$0x0] =	wrdreg $0xFFFFFFFF;
	(pc) =	sbr.abs _section_cstart, $3  }
0xc6: {  	[dreg:$0x1] =	wrdreg $0xFFFFFFFF  }
0xc7: {  	_ =	task.clear_ibuf [dreg:s7], $0x2FFFF;
	_ =	strace $0x9FFFFFFF  }
0xc8: {  	(tm) =	ssettm $0x7FFFFFFF  }
0xc9: {  	_ =	shalt  }
tec
execute0_lowered:
.L_overlay_start_1:
0x0: {  	(tag) =	ssettag $0x1  }
0x1: {  	s1 =	rddreg [dreg:$0x0]  }
0x2: {  	s5 =	rddreg [dreg:$0x1]  }
0x3: {  	s0 =	rddreg [dreg:$0x2];
	s2 =	simm.s32 $0x0;
	s3 =	srdreg.scid  }
0x4: {  	s11 =	simm.s32 $0x80;
	s12 =	simm.s32 $0x5;
	s13 =	simm.s32 $0x0  }
0x5: {  	[smem:$0x7FF] =	sst s2;
	s6 =	sand.u32 $0x1, s3;
	s4 =	sadd.s32 $0x3200, s5  }
0x6: {  	s3 =	stileid.u32;
	s5 =	sadd.s32 $0x3600, s5;
	s7 =	sshll.u32 s6, $0x4  }
0x7: {  	_ =	strace $0x80000047;
	s8 =	ssub.s32 $0x2, s6;
	s30 =	sor.u32 s3, s7  }
0x8: {  	p0 =	slt.u32 s30, $0x11;
	s9 =	sshll.u32 s30, $0x1;
	s6 =	sadd.s32 $0x11, s30  }
0x9: {  	s10 =	sshrl.u32 s8, $0x1;
	s7 =	simm.s32 $0x2;
	s6 =	smov.u32 @p0 s9  }
0xa: {  	s10 =	ssub.s32 s8, s10;
	s7 =	simm.s32 @!p0 $0x1;
	s31 =	sshll.u32 s6, $0x4  }
0xb: {  	s10 =	smax.u32 s10, $0x1;
	s9 =	sadd.s32 $0xFFFFFFFF, s7;
	s8 =	sadd.s32 s4, s31  }
.LBB2_1:
0xc: {  	_ =	strace $0x80000048;
	s20 =	simm.s32 $0x0  }
0xd: {  	s14 =	simm.s32 $0x0;
	s15 =	simm.s32 $0x0;
	s16 =	simm.s32 $0x0  }
0xe: {  	[tilespmem:s2], [sflag:$0x1] =	stream.linear.gather [hbm4b:s8+s2], $0x80, $0x200038;
	[tilespmem:$0x8100] =	vst v63  }
0xf: {  	s17 =	simm.s32 $0x1;
	s18 =	simm.s32 $0x0;
	_ =	strace $0x90000048  }
.LBB2_2:
0x10: {  	s19 =	sadd.s32 $0x1, s20  }
0x11: {  	p0 =	seq.s32 s19, s7  }
0x12: {  	s19 =	simm.s32 @p0 $0x0  }
0x13: {  	p3 =	slt.s32 s18, s9;
	p1 =	sne.s32 s20, s19  }
0x14: {  	p0 =	por !p3, !p1  }
0x15: {  	p0 =	por !p0, !p0  }
0x16: {  	s21 =	sadd.s32 @p0 s6, s19  }
0x17: {  	s22 =	sand.u32 @p0 $0x1, s17;
	s21 =	sshll.u32 @p0 s21, $0x4  }
0x18: {  	_ =	strace @p0 $0x80000049;
	s24 =	simm.s32 @p0 $0x0;
	s21 =	sand.u32 @p0 $0x1FFFFFF0, s21  }
0x19: {  	s23 =	sshll.u32 @p0 s22, $0x7;
	s22 =	sadd.s32 @p0 $0x1, s22;
	s21 =	sadd.s32 @p0 s4, s21  }
0x1a: {  	[tilespmem:s23], [sflag:s22] =	stream.linear.gather @p0 [hbm4b:s21+s24], $0x80, $0x200038;
	[tilespmem:$0x8100] =	vst v63  }
0x1b: {  	p2 =	seq.s32 s18, $0x0;
	s21 =	sor.u32 s9, s20  }
0x1c: {  	p3 =	seq.s32 @!p2 s21, $0x0  }
0x1d: {  	p2 =	por p2, !p3  }
0x1e: {  	_ =	strace @p0 $0x90000049;
	s22 =	sand.u32 @p2 $0x1, s16  }
0x1f: {  	_ =	strace @p2 $0x8000004A;
	s22 =	sadd.s32 @p2 $0x1, s22  }
0x20: {  	s31 =	sshll.u32 s16, $0x7;
	_ =	swait.ge @p2 [sflag:s22], $0x80  }
0x21: {  	p4 =	seq.s32 s9, s18;
	p6 =	sne.s32 s18, $0x0;
	[sflag:s22] =	ssyncset.done @p2 $0x0  }
0x22: {  	p1 =	por p4, p1;
	[sflag:s22] =	ssyncadd.s32 @p2 $0xFFFFFF80;
	s22 =	sand.u32 $0x1, s15  }
0x23: {  	s24 =	sand.u32 $0x80, s31;
	_ =	strace @p2 $0x9000004A;
	s30 =	sshll.u32 s22, $0xE  }
0x24: {  	s20 =	sadd.s32 s6, s20;
	_ =	strace $0x8000004B;
	s23 =	sor.u32 $0x100, s30  }
0x25: {  	[tilespmem:s23], [sflag:$0x5] =	stream.indirect.gather [hbm4b:s1+s11], $0x80, s24, s11, $0x2000b8;
	[tilespmem:$0x8100] =	vst v63  }
0x26: {  	p5 =	sne.s32 s21, $0x0;
	s20 =	sshll.u32 @p1 s20, $0xB;
	_ =	swait.ge [sflag:s12], $0x4000  }
0x27: {  	s21 =	simm.s32 $0x1;
	s20 =	sand.u32 @p1 $0x1FFFF800, s20;
	[sflag:s12] =	ssyncset.done $0x0  }
0x28: {  	s21 =	simm.s32 @!p0 $0x0;
	s20 =	sadd.s32 @p1 s5, s20;
	[sflag:s12] =	ssyncadd.s32 $0xFFFFC000  }
0x29: {  	p2 =	por !p6, !p5;
	s22 =	sadd.s32 @p1 $0x3, s22;
	_ =	strace $0x9000004B  }
0x2a: {  	p0 =	por !p2, !p2;
	s24 =	simm.s32 @p1 $0x0;
	_ =	strace @p1 $0x8000004C  }
0x2b: {  	[hbm4b:s20+s24] =	stream.linear.scatter @p1 [tilespmem:s23], [sflag:s22], $0x4000, $0x200038;
	[tilespmem:$0x8100] =	vst v63  }
0x2c: {  	s18 =	sadd.s32 $0x1, s18;
	s20 =	simm.s32 $0x1;
	s22 =	sand.u32 @p0 $0x1, s14  }
0x2d: {  	_ =	strace @p1 $0x9000004C;
	s20 =	simm.s32 @!p1 $0x0;
	p1 =	sne.s32 s7, s18  }
.Ltmp0:
0x2e: {  	s22 =	sadd.s32 @p0 $0x3, s22;
	_ =	strace @p0 $0x8000004D;
	(pc) =	sbr.rel @p1 .LBB2_2-.Ltmp0, $4  }
0x2f: {  	s17 =	sadd.s32 s21, s17;
	s21 =	simm.s32 $0x1;
	_ =	swait.ge @p0 [sflag:s22], $0x4000  }
0x30: {  	s21 =	simm.s32 @!p0 $0x0;
	[sflag:s22] =	ssyncset.done @p0 $0x0  }
0x31: {  	s14 =	sadd.s32 s21, s14;
	s15 =	sadd.s32 s20, s15;
	[sflag:s22] =	ssyncadd.s32 @p0 $0xFFFFC000  }
0x32: {  	s16 =	sadd.s32 s20, s16;
	s20 =	smov.u32 s19;
	_ =	strace @p0 $0x9000004D  }
0x33: {  	s13 =	sadd.s32 $0x1, s13  }
0x34: {  	s14 =	sand.u32 $0x1, s14;
	p0 =	sne.s32 s13, s10  }
.Ltmp1:
0x35: {  	_ =	strace $0x8000004E;
	s14 =	sadd.s32 $0x3, s14;
	(pc) =	sbr.rel @p0 .LBB2_1-.Ltmp1, $4  }
0x36: {  	_ =	swait.ge [sflag:s14], $0x4000  }
0x37: {  	[sflag:s14] =	ssyncset.done $0x0  }
0x38: {  	[sflag:s14] =	ssyncadd.s32 $0xFFFFC000  }
0x39: {  	_ =	strace $0x9000004E  }
0x3a: {  	_ =	sfence.sel $0x180000  }
0x3b: {  	[bflag:$0x0] =	sbarrier.arrive $0xFFFF  }
0x3c: {  	p0 =	sne.s32 s3, $0x0;
	_ =	strace $0x90000047  }
0x3d: {  	s0 =	sadd.s32 @!p0 $0x100000, s0;
	[bflag:$0x2] =	sbarrier.arrive $0xFFFF  }
0x3e: {  	[sflag:s0] =	ssyncadd.tile.s32 @!p0 $0x1;
	_ =	shalt  }
.Lfunc_end2:
_tile_overlayer_lowered:
.L_overlay_start_2:
0x3f: {  	(tag) =	ssettag $0x2  }
0x40: {  	s0 =	rddreg [dreg:$0x0];
	s2 =	stileid.u32  }
0x41: {  	s1 =	rddreg [dreg:$0x1];
	p0 =	sne.s32 s2, $0x0  }
0x42: {  	s3 =	rddreg [dreg:$0x2];
	[bflag:$0x3] =	sbarrier.arrive $0xFFFF;
	s2 =	simm.s32 @!p0 $0x1C01  }
0x43: {  	[timem:s3], [sflag:s2] =	dma.local @!p0 [hbm:s0], s1  }
0x44: {  	s0 =	simm.s32 @!p0 $0x1  }
0x45: {  	_ =	swait.ge @!p0 [sflag:s0], s1  }
0x46: {  	s1 =	ssub.s32 @!p0 $0x0, s1;
	[sflag:s0] =	ssyncset.done @!p0 $0x0  }
0x47: {  	[sflag:s0] =	ssyncadd.s32 @!p0 s1  }
0x48: {  	[bflag:$0x3] =	sbarrier.arrive $0xFFFF  }
0x49: {  	_ =	shalt  }

</sc_bundles>
